<compile_context>
chip_gen: v7x
topology: tpu7x:2x2x1
jax: 0.10.2.dev20260603
libtpu: 0.0.44.dev20260713+nightly
codegen_flags: <defaults>
</compile_context>

<pallas_src>
import functools

import jax
import jax.numpy as jnp
from jax import lax
from jax.experimental import pallas as pl
from jax.experimental.pallas import tpu as pltpu
from jax.experimental.pallas import tpu_sc as plsc

BATCH = 16384
HIST = 50
EMBED_DIM = 64
TOTAL = BATCH * HIST

NC = 2
NS = 16
NW = NC * NS
B_PER_W = TOTAL // NW
CHUNK = 256
NCHUNK = B_PER_W // CHUNK
NBUF = 4
NGROUP = NCHUNK // NBUF


DELAY = NBUF // 2


def _gather_kernel(idx_hbm, table_hbm, out_hbm, idx_v, rows_v, in_sems, out_sems):
    wid = lax.axis_index("s") * NC + lax.axis_index("c")
    base = pl.multiple_of(wid * B_PER_W, B_PER_W)

    pltpu.sync_copy(idx_hbm.at[pl.ds(base, B_PER_W)], idx_v)

    def start_gather(chunk, buf):
        off = pl.multiple_of(chunk * CHUNK, CHUNK)
        pltpu.async_copy(
            table_hbm.at[idx_v.at[pl.ds(off, CHUNK)]],
            rows_v.at[buf],
            in_sems.at[buf],
        )

    def wait_gather(buf):
        pltpu.make_async_copy(
            table_hbm.at[pl.ds(0, CHUNK)], rows_v.at[buf], in_sems.at[buf]
        ).wait()

    def start_scatter(chunk, buf):
        out_off = pl.multiple_of(base + chunk * CHUNK, CHUNK)
        pltpu.async_copy(
            rows_v.at[buf], out_hbm.at[pl.ds(out_off, CHUNK)], out_sems.at[buf]
        )

    def wait_scatter(buf):
        pltpu.make_async_copy(
            rows_v.at[buf], out_hbm.at[pl.ds(0, CHUNK)], out_sems.at[buf]
        ).wait()

    for b in range(NBUF):
        start_gather(b, b)

    def group_body(g, _):
        for b in range(NBUF):
            chunk = g * NBUF + b
            wait_gather(b)
            start_scatter(chunk, b)
            prev = chunk - DELAY
            refill = prev + NBUF
            bp = (b - DELAY) % NBUF

            @pl.when(jnp.logical_and(prev >= 0, refill < NCHUNK))
            def _():
                wait_scatter(bp)
                start_gather(refill, bp)
        return 0

    lax.fori_loop(0, NGROUP, group_body, 0)

    for b in range(NBUF):
        wait_scatter(b)


@jax.jit
def _run(idx_flat, obj_table):
    mesh = plsc.VectorSubcoreMesh(core_axis_name="c", subcore_axis_name="s")
    f = functools.partial(
        pl.kernel,
        mesh=mesh,
        out_type=jax.ShapeDtypeStruct((TOTAL, EMBED_DIM), jnp.float32),
        scratch_types=[
            pltpu.VMEM((B_PER_W,), jnp.int32),
            pltpu.VMEM((NBUF, CHUNK, EMBED_DIM), jnp.float32),
            pltpu.SemaphoreType.DMA((NBUF,)),
            pltpu.SemaphoreType.DMA((NBUF,)),
        ],
        compiler_params=pltpu.CompilerParams(use_tc_tiling_on_sc=False),
    )(_gather_kernel)
    return f(idx_flat, obj_table)


def kernel(x, obj_table):
    idx_flat = x.reshape(TOTAL)
    out = _run(idx_flat, obj_table)
    return out.reshape(BATCH, HIST, EMBED_DIM)

# --- scband reference (transcript-rebuilt; emitter-appended) ---
"""Pipeline reference for scband-visual-object-tags-encoder-61289183313970 (READ-ONLY COPY).

The authoritative reference and input builder live on the scoring server;
editing this copy changes nothing except your own understanding.
"""

import jax, jax.numpy as jnp
import numpy as np

BATCH = 16384
HIST = 50
VOCAB = 1000000
EMBED_DIM = 64

def setup_inputs(seed: int = 0) -> dict:
    key = jax.random.key(seed)
    k1, k2 = jax.random.split(key)
    x = jax.random.randint(k1, (BATCH, HIST, 1), 0, VOCAB, dtype=jnp.int32)
    obj_table = jax.random.normal(k2, (VOCAB, EMBED_DIM), dtype=jnp.float32)
    return {"x": x, "obj_table": obj_table}

def reference(x, obj_table):
    # feat_mode == 'objs': split last dim of size 1 -> obj_idxs only, squeeze, embed.
    obj_idxs = x[..., 0]  # [B, L]
    states = jnp.take(obj_table, obj_idxs, axis=0)  # [B, L, D]
    # No l2_norm / proj / layer_norm / dropout configured; mask is None.
    return states

if __name__ == "__main__":
    import jax
    _d = setup_inputs()
    print(jax.jit(kernel)(*tuple(_d.values())))

</pallas_src>

<mosaic_0001>
#map = affine_map<(d0, d1) -> (0)>
#map1 = affine_map<(d0, d1) -> (0, 0)>
module attributes {stable_mosaic.version = 14 : i64} {
  func.func @_gather_kernel(%arg0: i32, %arg1: i32, %arg2: memref<819200xi32, #tpu.memory_space<hbm>>, %arg3: memref<1000000x64xf32, #tpu.memory_space<hbm>>, %arg4: memref<819200x64xf32, #tpu.memory_space<hbm>>, %arg5: memref<25600xi32, #tpu.memory_space<vmem>>, %arg6: memref<4x256x64xf32, #tpu.memory_space<vmem>>, %arg7: memref<4x!tpu.dma_semaphore, #tpu.memory_space<semaphore_mem>>, %arg8: memref<4x!tpu.dma_semaphore, #tpu.memory_space<semaphore_mem>>) attributes {dimension_semantics = [#tpu.dimension_semantics<core_parallel>, #tpu.dimension_semantics<subcore_parallel>], iteration_bounds = array<i64: 2, 16>, scalar_prefetch = 0 : i64, scratch_operands = 4 : i64, tpu.core_type = #tpu.core_type<sc_vector_subcore>, window_params = [{transform_indices = #map}, {transform_indices = #map1}, {transform_indices = #map1}]} {
    %mul3A = arith.constant 2 : i32
    %mul3A_0 = arith.muli %arg1, %mul3A : i32
    %add3A = arith.addi %mul3A_0, %arg0 : i32
    %mul3A_1 = arith.constant 25600 : i32
    %mul3A_2 = arith.muli %add3A, %mul3A_1 : i32
    %multiple_of3A = tpu.assume_multiple %mul3A_2, 25600 : i32
    "tpu.region"() ({
      %run_scoped3A = tpu.sem_alloc : memref<!tpu.dma_semaphore, #tpu.memory_space<semaphore_mem>>
      %dma_start3A_135 = tpu.memref_slice %arg2[%multiple_of3A] : memref<819200xi32, #tpu.memory_space<hbm>> -> memref<25600xi32, #tpu.memory_space<hbm>>
      %dma_start3A_136 = tpu.memref_slice %arg2[%multiple_of3A] : memref<819200xi32, #tpu.memory_space<hbm>> -> memref<25600xi32, #tpu.memory_space<hbm>>
      tpu.enqueue_dma source(%dma_start3A_136 : memref<25600xi32, #tpu.memory_space<hbm>>) target(%arg5 : memref<25600xi32, #tpu.memory_space<vmem>>) target_semaphore(%run_scoped3A : memref<!tpu.dma_semaphore, #tpu.memory_space<semaphore_mem>>)
      %dma_wait3A_137 = tpu.memref_slice %arg2[%multiple_of3A] : memref<819200xi32, #tpu.memory_space<hbm>> -> memref<25600xi32, #tpu.memory_space<hbm>>
      %dma_wait3A_138 = tpu.memref_slice %arg2[%multiple_of3A] : memref<819200xi32, #tpu.memory_space<hbm>> -> memref<25600xi32, #tpu.memory_space<hbm>>
      tpu.wait_dma2 semaphore(%run_scoped3A : memref<!tpu.dma_semaphore, #tpu.memory_space<semaphore_mem>>) src(%dma_wait3A_138 : memref<25600xi32, #tpu.memory_space<hbm>>) dst(%arg5 : memref<25600xi32, #tpu.memory_space<vmem>>)
      tpu.yield
    }) : () -> ()
    %multiple_of3A_3 = arith.constant 0 : i32
    %multiple_of3A_4 = tpu.assume_multiple %multiple_of3A_3, 256 : i32
    %dma_start3A = arith.constant 0 : i32
    %dma_start3A_5 = arith.constant 0 : i32
    %dma_start3A_6 = arith.constant 0 : i32
    %dma_start3A_7 = arith.constant 0 : i32
    %dma_start3A_8 = tpu.memref_slice %arg6[%dma_start3A, %dma_start3A_6, %dma_start3A_7] : memref<4x256x64xf32, #tpu.memory_space<vmem>> -> memref<1x256x64xf32, #tpu.memory_space<vmem>>
    %dma_start3A_9 = tpu.memref_squeeze %dma_start3A_8 : memref<1x256x64xf32, #tpu.memory_space<vmem>> -> memref<256x64xf32, #tpu.memory_space<vmem>>
    %dma_start3A_10 = tpu.memref_slice %arg5[%multiple_of3A_4] : memref<25600xi32, #tpu.memory_space<vmem>> -> memref<256xi32, #tpu.memory_space<vmem>>
    %dma_start3A_11 = arith.constant 0 : i32
    %dma_start3A_12 = arith.constant 0 : i32
    %dma_start3A_13 = tpu.memref_slice %arg3[%dma_start3A_11, %dma_start3A_12] : memref<1000000x64xf32, #tpu.memory_space<hbm>> -> memref<1000000x64xf32, #tpu.memory_space<hbm>>
    %dma_start3A_14 = tpu.memref_slice %arg7[%dma_start3A_5] : memref<4x!tpu.dma_semaphore, #tpu.memory_space<semaphore_mem>> -> memref<1x!tpu.dma_semaphore, #tpu.memory_space<semaphore_mem>>
    %dma_start3A_15 = tpu.memref_squeeze %dma_start3A_14 : memref<1x!tpu.dma_semaphore, #tpu.memory_space<semaphore_mem>> -> memref<!tpu.dma_semaphore, #tpu.memory_space<semaphore_mem>>
    tpu.enqueue_indirect_dma source(%dma_start3A_13 : memref<1000000x64xf32, #tpu.memory_space<hbm>>) target(%dma_start3A_9 : memref<256x64xf32, #tpu.memory_space<vmem>>) offsets(%dma_start3A_10 : memref<256xi32, #tpu.memory_space<vmem>>) semaphore(%dma_start3A_15 : memref<!tpu.dma_semaphore, #tpu.memory_space<semaphore_mem>>)
    %multiple_of3A_16 = arith.constant 256 : i32
    %multiple_of3A_17 = tpu.assume_multiple %multiple_of3A_16, 256 : i32
    %dma_start3A_18 = arith.constant 1 : i32
    %dma_start3A_19 = arith.constant 1 : i32
    %dma_start3A_20 = arith.constant 0 : i32
    %dma_start3A_21 = arith.constant 0 : i32
    %dma_start3A_22 = tpu.memref_slice %arg6[%dma_start3A_18, %dma_start3A_20, %dma_start3A_21] : memref<4x256x64xf32, #tpu.memory_space<vmem>> -> memref<1x256x64xf32, #tpu.memory_space<vmem>>
    %dma_start3A_23 = tpu.memref_squeeze %dma_start3A_22 : memref<1x256x64xf32, #tpu.memory_space<vmem>> -> memref<256x64xf32, #tpu.memory_space<vmem>>
    %dma_start3A_24 = tpu.memref_slice %arg5[%multiple_of3A_17] : memref<25600xi32, #tpu.memory_space<vmem>> -> memref<256xi32, #tpu.memory_space<vmem>>
    %dma_start3A_25 = arith.constant 0 : i32
    %dma_start3A_26 = arith.constant 0 : i32
    %dma_start3A_27 = tpu.memref_slice %arg3[%dma_start3A_25, %dma_start3A_26] : memref<1000000x64xf32, #tpu.memory_space<hbm>> -> memref<1000000x64xf32, #tpu.memory_space<hbm>>
    %dma_start3A_28 = tpu.memref_slice %arg7[%dma_start3A_19] : memref<4x!tpu.dma_semaphore, #tpu.memory_space<semaphore_mem>> -> memref<1x!tpu.dma_semaphore, #tpu.memory_space<semaphore_mem>>
    %dma_start3A_29 = tpu.memref_squeeze %dma_start3A_28 : memref<1x!tpu.dma_semaphore, #tpu.memory_space<semaphore_mem>> -> memref<!tpu.dma_semaphore, #tpu.memory_space<semaphore_mem>>
    tpu.enqueue_indirect_dma source(%dma_start3A_27 : memref<1000000x64xf32, #tpu.memory_space<hbm>>) target(%dma_start3A_23 : memref<256x64xf32, #tpu.memory_space<vmem>>) offsets(%dma_start3A_24 : memref<256xi32, #tpu.memory_space<vmem>>) semaphore(%dma_start3A_29 : memref<!tpu.dma_semaphore, #tpu.memory_space<semaphore_mem>>)
    %multiple_of3A_30 = arith.constant 512 : i32
    %multiple_of3A_31 = tpu.assume_multiple %multiple_of3A_30, 256 : i32
    %dma_start3A_32 = arith.constant 2 : i32
    %dma_start3A_33 = arith.constant 2 : i32
    %dma_start3A_34 = arith.constant 0 : i32
    %dma_start3A_35 = arith.constant 0 : i32
    %dma_start3A_36 = tpu.memref_slice %arg6[%dma_start3A_32, %dma_start3A_34, %dma_start3A_35] : memref<4x256x64xf32, #tpu.memory_space<vmem>> -> memref<1x256x64xf32, #tpu.memory_space<vmem>>
    %dma_start3A_37 = tpu.memref_squeeze %dma_start3A_36 : memref<1x256x64xf32, #tpu.memory_space<vmem>> -> memref<256x64xf32, #tpu.memory_space<vmem>>
    %dma_start3A_38 = tpu.memref_slice %arg5[%multiple_of3A_31] : memref<25600xi32, #tpu.memory_space<vmem>> -> memref<256xi32, #tpu.memory_space<vmem>>
    %dma_start3A_39 = arith.constant 0 : i32
    %dma_start3A_40 = arith.constant 0 : i32
    %dma_start3A_41 = tpu.memref_slice %arg3[%dma_start3A_39, %dma_start3A_40] : memref<1000000x64xf32, #tpu.memory_space<hbm>> -> memref<1000000x64xf32, #tpu.memory_space<hbm>>
    %dma_start3A_42 = tpu.memref_slice %arg7[%dma_start3A_33] : memref<4x!tpu.dma_semaphore, #tpu.memory_space<semaphore_mem>> -> memref<1x!tpu.dma_semaphore, #tpu.memory_space<semaphore_mem>>
    %dma_start3A_43 = tpu.memref_squeeze %dma_start3A_42 : memref<1x!tpu.dma_semaphore, #tpu.memory_space<semaphore_mem>> -> memref<!tpu.dma_semaphore, #tpu.memory_space<semaphore_mem>>
    tpu.enqueue_indirect_dma source(%dma_start3A_41 : memref<1000000x64xf32, #tpu.memory_space<hbm>>) target(%dma_start3A_37 : memref<256x64xf32, #tpu.memory_space<vmem>>) offsets(%dma_start3A_38 : memref<256xi32, #tpu.memory_space<vmem>>) semaphore(%dma_start3A_43 : memref<!tpu.dma_semaphore, #tpu.memory_space<semaphore_mem>>)
    %multiple_of3A_44 = arith.constant 768 : i32
    %multiple_of3A_45 = tpu.assume_multiple %multiple_of3A_44, 256 : i32
    %dma_start3A_46 = arith.constant 3 : i32
    %dma_start3A_47 = arith.constant 3 : i32
    %dma_start3A_48 = arith.constant 0 : i32
    %dma_start3A_49 = arith.constant 0 : i32
    %dma_start3A_50 = tpu.memref_slice %arg6[%dma_start3A_46, %dma_start3A_48, %dma_start3A_49] : memref<4x256x64xf32, #tpu.memory_space<vmem>> -> memref<1x256x64xf32, #tpu.memory_space<vmem>>
    %dma_start3A_51 = tpu.memref_squeeze %dma_start3A_50 : memref<1x256x64xf32, #tpu.memory_space<vmem>> -> memref<256x64xf32, #tpu.memory_space<vmem>>
    %dma_start3A_52 = tpu.memref_slice %arg5[%multiple_of3A_45] : memref<25600xi32, #tpu.memory_space<vmem>> -> memref<256xi32, #tpu.memory_space<vmem>>
    %dma_start3A_53 = arith.constant 0 : i32
    %dma_start3A_54 = arith.constant 0 : i32
    %dma_start3A_55 = tpu.memref_slice %arg3[%dma_start3A_53, %dma_start3A_54] : memref<1000000x64xf32, #tpu.memory_space<hbm>> -> memref<1000000x64xf32, #tpu.memory_space<hbm>>
    %dma_start3A_56 = tpu.memref_slice %arg7[%dma_start3A_47] : memref<4x!tpu.dma_semaphore, #tpu.memory_space<semaphore_mem>> -> memref<1x!tpu.dma_semaphore, #tpu.memory_space<semaphore_mem>>
    %dma_start3A_57 = tpu.memref_squeeze %dma_start3A_56 : memref<1x!tpu.dma_semaphore, #tpu.memory_space<semaphore_mem>> -> memref<!tpu.dma_semaphore, #tpu.memory_space<semaphore_mem>>
    tpu.enqueue_indirect_dma source(%dma_start3A_55 : memref<1000000x64xf32, #tpu.memory_space<hbm>>) target(%dma_start3A_51 : memref<256x64xf32, #tpu.memory_space<vmem>>) offsets(%dma_start3A_52 : memref<256xi32, #tpu.memory_space<vmem>>) semaphore(%dma_start3A_57 : memref<!tpu.dma_semaphore, #tpu.memory_space<semaphore_mem>>)
    %scan3A = arith.constant 0 : i32
    %scan3A_58 = arith.constant 0 : i32
    %scan3A_59 = arith.constant 25 : i32
    %scan3A_60 = arith.addi %scan3A_58, %scan3A_59 : i32
    %scan3A_61 = arith.constant 1 : i32
    %scan3A_62 = scf.for %scan3A_135 = %scan3A_58 to %scan3A_60 step %scan3A_61 iter_args(%scan3A_136 = %scan3A) -> (i32)  : i32 {
      %mul3A_137 = arith.constant 4 : i32
      %mul3A_138 = arith.muli %scan3A_135, %mul3A_137 : i32
      %add3A_139 = arith.constant 0 : i32
      %add3A_140 = arith.addi %mul3A_138, %add3A_139 : i32
      %dma_wait3A_141 = arith.constant 0 : i32
      %dma_wait3A_142 = arith.constant 0 : i32
      %dma_wait3A_143 = arith.constant 0 : i32
      %dma_wait3A_144 = arith.constant 0 : i32
      %dma_wait3A_145 = tpu.memref_slice %arg6[%dma_wait3A_141, %dma_wait3A_143, %dma_wait3A_144] : memref<4x256x64xf32, #tpu.memory_space<vmem>> -> memref<1x256x64xf32, #tpu.memory_space<vmem>>
      %dma_wait3A_146 = tpu.memref_squeeze %dma_wait3A_145 : memref<1x256x64xf32, #tpu.memory_space<vmem>> -> memref<256x64xf32, #tpu.memory_space<vmem>>
      %dma_wait3A_147 = arith.constant 0 : i32
      %dma_wait3A_148 = arith.constant 0 : i32
      %dma_wait3A_149 = tpu.memref_slice %arg3[%dma_wait3A_147, %dma_wait3A_148] : memref<1000000x64xf32, #tpu.memory_space<hbm>> -> memref<256x64xf32, #tpu.memory_space<hbm>>
      %dma_wait3A_150 = tpu.memref_slice %arg7[%dma_wait3A_142] : memref<4x!tpu.dma_semaphore, #tpu.memory_space<semaphore_mem>> -> memref<1x!tpu.dma_semaphore, #tpu.memory_space<semaphore_mem>>
      %dma_wait3A_151 = tpu.memref_squeeze %dma_wait3A_150 : memref<1x!tpu.dma_semaphore, #tpu.memory_space<semaphore_mem>> -> memref<!tpu.dma_semaphore, #tpu.memory_space<semaphore_mem>>
      %dma_wait3A_152 = arith.constant 0 : i32
      %dma_wait3A_153 = arith.constant 0 : i32
      %dma_wait3A_154 = tpu.memref_slice %arg6[%dma_wait3A_141, %dma_wait3A_152, %dma_wait3A_153] : memref<4x256x64xf32, #tpu.memory_space<vmem>> -> memref<1x256x64xf32, #tpu.memory_space<vmem>>
      %dma_wait3A_155 = tpu.memref_squeeze %dma_wait3A_154 : memref<1x256x64xf32, #tpu.memory_space<vmem>> -> memref<256x64xf32, #tpu.memory_space<vmem>>
      %dma_wait3A_156 = arith.constant 0 : i32
      %dma_wait3A_157 = arith.constant 0 : i32
      %dma_wait3A_158 = tpu.memref_slice %arg3[%dma_wait3A_156, %dma_wait3A_157] : memref<1000000x64xf32, #tpu.memory_space<hbm>> -> memref<256x64xf32, #tpu.memory_space<hbm>>
      tpu.wait_dma2 semaphore(%dma_wait3A_151 : memref<!tpu.dma_semaphore, #tpu.memory_space<semaphore_mem>>) src(%dma_wait3A_158 : memref<256x64xf32, #tpu.memory_space<hbm>>) dst(%dma_wait3A_155 : memref<256x64xf32, #tpu.memory_space<vmem>>)
      %mul3A_159 = arith.constant 256 : i32
      %mul3A_160 = arith.muli %add3A_140, %mul3A_159 : i32
      %add3A_161 = arith.addi %multiple_of3A, %mul3A_160 : i32
      %multiple_of3A_162 = tpu.assume_multiple %add3A_161, 256 : i32
      %dma_start3A_163 = arith.constant 0 : i32
      %dma_start3A_164 = arith.constant 0 : i32
      %dma_start3A_165 = arith.constant 0 : i32
      %dma_start3A_166 = arith.constant 0 : i32
      %dma_start3A_167 = tpu.memref_slice %arg6[%dma_start3A_163, %dma_start3A_165, %dma_start3A_166] : memref<4x256x64xf32, #tpu.memory_space<vmem>> -> memref<1x256x64xf32, #tpu.memory_space<vmem>>
      %dma_start3A_168 = tpu.memref_squeeze %dma_start3A_167 : memref<1x256x64xf32, #tpu.memory_space<vmem>> -> memref<256x64xf32, #tpu.memory_space<vmem>>
      %dma_start3A_169 = arith.constant 0 : i32
      %dma_start3A_170 = tpu.memref_slice %arg4[%multiple_of3A_162, %dma_start3A_169] : memref<819200x64xf32, #tpu.memory_space<hbm>> -> memref<256x64xf32, #tpu.memory_space<hbm>>
      %dma_start3A_171 = tpu.memref_slice %arg8[%dma_start3A_164] : memref<4x!tpu.dma_semaphore, #tpu.memory_space<semaphore_mem>> -> memref<1x!tpu.dma_semaphore, #tpu.memory_space<semaphore_mem>>
      %dma_start3A_172 = tpu.memref_squeeze %dma_start3A_171 : memref<1x!tpu.dma_semaphore, #tpu.memory_space<semaphore_mem>> -> memref<!tpu.dma_semaphore, #tpu.memory_space<semaphore_mem>>
      %dma_start3A_173 = arith.constant 0 : i32
      %dma_start3A_174 = tpu.memref_slice %arg4[%multiple_of3A_162, %dma_start3A_173] : memref<819200x64xf32, #tpu.memory_space<hbm>> -> memref<256x64xf32, #tpu.memory_space<hbm>>
      %dma_start3A_175 = arith.constant 0 : i32
      %dma_start3A_176 = arith.constant 0 : i32
      %dma_start3A_177 = tpu.memref_slice %arg6[%dma_start3A_163, %dma_start3A_175, %dma_start3A_176] : memref<4x256x64xf32, #tpu.memory_space<vmem>> -> memref<1x256x64xf32, #tpu.memory_space<vmem>>
      %dma_start3A_178 = tpu.memref_squeeze %dma_start3A_177 : memref<1x256x64xf32, #tpu.memory_space<vmem>> -> memref<256x64xf32, #tpu.memory_space<vmem>>
      tpu.enqueue_dma source(%dma_start3A_178 : memref<256x64xf32, #tpu.memory_space<vmem>>) target(%dma_start3A_174 : memref<256x64xf32, #tpu.memory_space<hbm>>) target_semaphore(%dma_start3A_172 : memref<!tpu.dma_semaphore, #tpu.memory_space<semaphore_mem>>)
      %sub3A = arith.constant 2 : i32
      %sub3A_179 = arith.subi %add3A_140, %sub3A : i32
      %add3A_180 = arith.constant 4 : i32
      %add3A_181 = arith.addi %sub3A_179, %add3A_180 : i32
      %ge3A = arith.constant 0 : i32
      %ge3A_182 = arith.cmpi sge, %sub3A_179, %ge3A : i32
      %lt3A = arith.constant 100 : i32
      %lt3A_183 = arith.cmpi slt, %add3A_181, %lt3A : i32
      %and3A = arith.andi %ge3A_182, %lt3A_183 : i1
      %convert_element_type3A = arith.extui %and3A : i1 to i32
      %cond3A = arith.constant 0 : i32
      %cond3A_184 = arith.cmpi ne, %convert_element_type3A, %cond3A : i32
      scf.if %cond3A_184 {
        %dma_wait3A_348 = arith.constant 2 : i32
        %dma_wait3A_349 = arith.constant 2 : i32
        %dma_wait3A_350 = arith.constant 0 : i32
        %dma_wait3A_351 = arith.constant 0 : i32
        %dma_wait3A_352 = tpu.memref_slice %arg6[%dma_wait3A_348, %dma_wait3A_350, %dma_wait3A_351] : memref<4x256x64xf32, #tpu.memory_space<vmem>> -> memref<1x256x64xf32, #tpu.memory_space<vmem>>
        %dma_wait3A_353 = tpu.memref_squeeze %dma_wait3A_352 : memref<1x256x64xf32, #tpu.memory_space<vmem>> -> memref<256x64xf32, #tpu.memory_space<vmem>>
        %dma_wait3A_354 = arith.constant 0 : i32
        %dma_wait3A_355 = arith.constant 0 : i32
        %dma_wait3A_356 = tpu.memref_slice %arg4[%dma_wait3A_354, %dma_wait3A_355] : memref<819200x64xf32, #tpu.memory_space<hbm>> -> memref<256x64xf32, #tpu.memory_space<hbm>>
        %dma_wait3A_357 = tpu.memref_slice %arg8[%dma_wait3A_349] : memref<4x!tpu.dma_semaphore, #tpu.memory_space<semaphore_mem>> -> memref<1x!tpu.dma_semaphore, #tpu.memory_space<semaphore_mem>>
        %dma_wait3A_358 = tpu.memref_squeeze %dma_wait3A_357 : memref<1x!tpu.dma_semaphore, #tpu.memory_space<semaphore_mem>> -> memref<!tpu.dma_semaphore, #tpu.memory_space<semaphore_mem>>
        %dma_wait3A_359 = arith.constant 0 : i32
        %dma_wait3A_360 = arith.constant 0 : i32
        %dma_wait3A_361 = tpu.memref_slice %arg4[%dma_wait3A_359, %dma_wait3A_360] : memref<819200x64xf32, #tpu.memory_space<hbm>> -> memref<256x64xf32, #tpu.memory_space<hbm>>
        %dma_wait3A_362 = arith.constant 0 : i32
        %dma_wait3A_363 = arith.constant 0 : i32
        %dma_wait3A_364 = tpu.memref_slice %arg6[%dma_wait3A_348, %dma_wait3A_362, %dma_wait3A_363] : memref<4x256x64xf32, #tpu.memory_space<vmem>> -> memref<1x256x64xf32, #tpu.memory_space<vmem>>
        %dma_wait3A_365 = tpu.memref_squeeze %dma_wait3A_364 : memref<1x256x64xf32, #tpu.memory_space<vmem>> -> memref<256x64xf32, #tpu.memory_space<vmem>>
        tpu.wait_dma2 semaphore(%dma_wait3A_358 : memref<!tpu.dma_semaphore, #tpu.memory_space<semaphore_mem>>) src(%dma_wait3A_365 : memref<256x64xf32, #tpu.memory_space<vmem>>) dst(%dma_wait3A_361 : memref<256x64xf32, #tpu.memory_space<hbm>>)
        %mul3A_366 = arith.constant 256 : i32
        %mul3A_367 = arith.muli %add3A_181, %mul3A_366 : i32
        %multiple_of3A_368 = tpu.assume_multiple %mul3A_367, 256 : i32
        %dma_start3A_369 = arith.constant 2 : i32
        %dma_start3A_370 = arith.constant 2 : i32
        %dma_start3A_371 = arith.constant 0 : i32
        %dma_start3A_372 = arith.constant 0 : i32
        %dma_start3A_373 = tpu.memref_slice %arg6[%dma_start3A_369, %dma_start3A_371, %dma_start3A_372] : memref<4x256x64xf32, #tpu.memory_space<vmem>> -> memref<1x256x64xf32, #tpu.memory_space<vmem>>
        %dma_start3A_374 = tpu.memref_squeeze %dma_start3A_373 : memref<1x256x64xf32, #tpu.memory_space<vmem>> -> memref<256x64xf32, #tpu.memory_space<vmem>>
        %dma_start3A_375 = tpu.memref_slice %arg5[%multiple_of3A_368] : memref<25600xi32, #tpu.memory_space<vmem>> -> memref<256xi32, #tpu.memory_space<vmem>>
        %dma_start3A_376 = arith.constant 0 : i32
        %dma_start3A_377 = arith.constant 0 : i32
        %dma_start3A_378 = tpu.memref_slice %arg3[%dma_start3A_376, %dma_start3A_377] : memref<1000000x64xf32, #tpu.memory_space<hbm>> -> memref<1000000x64xf32, #tpu.memory_space<hbm>>
        %dma_start3A_379 = tpu.memref_slice %arg7[%dma_start3A_370] : memref<4x!tpu.dma_semaphore, #tpu.memory_space<semaphore_mem>> -> memref<1x!tpu.dma_semaphore, #tpu.memory_space<semaphore_mem>>
        %dma_start3A_380 = tpu.memref_squeeze %dma_start3A_379 : memref<1x!tpu.dma_semaphore, #tpu.memory_space<semaphore_mem>> -> memref<!tpu.dma_semaphore, #tpu.memory_space<semaphore_mem>>
        tpu.enqueue_indirect_dma source(%dma_start3A_378 : memref<1000000x64xf32, #tpu.memory_space<hbm>>) target(%dma_start3A_374 : memref<256x64xf32, #tpu.memory_space<vmem>>) offsets(%dma_start3A_375 : memref<256xi32, #tpu.memory_space<vmem>>) semaphore(%dma_start3A_380 : memref<!tpu.dma_semaphore, #tpu.memory_space<semaphore_mem>>)
      } else {
      }
      %mul3A_185 = arith.constant 4 : i32
      %mul3A_186 = arith.muli %scan3A_135, %mul3A_185 : i32
      %add3A_187 = arith.constant 1 : i32
      %add3A_188 = arith.addi %mul3A_186, %add3A_187 : i32
      %dma_wait3A_189 = arith.constant 1 : i32
      %dma_wait3A_190 = arith.constant 1 : i32
      %dma_wait3A_191 = arith.constant 0 : i32
      %dma_wait3A_192 = arith.constant 0 : i32
      %dma_wait3A_193 = tpu.memref_slice %arg6[%dma_wait3A_189, %dma_wait3A_191, %dma_wait3A_192] : memref<4x256x64xf32, #tpu.memory_space<vmem>> -> memref<1x256x64xf32, #tpu.memory_space<vmem>>
      %dma_wait3A_194 = tpu.memref_squeeze %dma_wait3A_193 : memref<1x256x64xf32, #tpu.memory_space<vmem>> -> memref<256x64xf32, #tpu.memory_space<vmem>>
      %dma_wait3A_195 = arith.constant 0 : i32
      %dma_wait3A_196 = arith.constant 0 : i32
      %dma_wait3A_197 = tpu.memref_slice %arg3[%dma_wait3A_195, %dma_wait3A_196] : memref<1000000x64xf32, #tpu.memory_space<hbm>> -> memref<256x64xf32, #tpu.memory_space<hbm>>
      %dma_wait3A_198 = tpu.memref_slice %arg7[%dma_wait3A_190] : memref<4x!tpu.dma_semaphore, #tpu.memory_space<semaphore_mem>> -> memref<1x!tpu.dma_semaphore, #tpu.memory_space<semaphore_mem>>
      %dma_wait3A_199 = tpu.memref_squeeze %dma_wait3A_198 : memref<1x!tpu.dma_semaphore, #tpu.memory_space<semaphore_mem>> -> memref<!tpu.dma_semaphore, #tpu.memory_space<semaphore_mem>>
      %dma_wait3A_200 = arith.constant 0 : i32
      %dma_wait3A_201 = arith.constant 0 : i32
      %dma_wait3A_202 = tpu.memref_slice %arg6[%dma_wait3A_189, %dma_wait3A_200, %dma_wait3A_201] : memref<4x256x64xf32, #tpu.memory_space<vmem>> -> memref<1x256x64xf32, #tpu.memory_space<vmem>>
      %dma_wait3A_203 = tpu.memref_squeeze %dma_wait3A_202 : memref<1x256x64xf32, #tpu.memory_space<vmem>> -> memref<256x64xf32, #tpu.memory_space<vmem>>
      %dma_wait3A_204 = arith.constant 0 : i32
      %dma_wait3A_205 = arith.constant 0 : i32
      %dma_wait3A_206 = tpu.memref_slice %arg3[%dma_wait3A_204, %dma_wait3A_205] : memref<1000000x64xf32, #tpu.memory_space<hbm>> -> memref<256x64xf32, #tpu.memory_space<hbm>>
      tpu.wait_dma2 semaphore(%dma_wait3A_199 : memref<!tpu.dma_semaphore, #tpu.memory_space<semaphore_mem>>) src(%dma_wait3A_206 : memref<256x64xf32, #tpu.memory_space<hbm>>) dst(%dma_wait3A_203 : memref<256x64xf32, #tpu.memory_space<vmem>>)
      %mul3A_207 = arith.constant 256 : i32
      %mul3A_208 = arith.muli %add3A_188, %mul3A_207 : i32
      %add3A_209 = arith.addi %multiple_of3A, %mul3A_208 : i32
      %multiple_of3A_210 = tpu.assume_multiple %add3A_209, 256 : i32
      %dma_start3A_211 = arith.constant 1 : i32
      %dma_start3A_212 = arith.constant 1 : i32
      %dma_start3A_213 = arith.constant 0 : i32
      %dma_start3A_214 = arith.constant 0 : i32
      %dma_start3A_215 = tpu.memref_slice %arg6[%dma_start3A_211, %dma_start3A_213, %dma_start3A_214] : memref<4x256x64xf32, #tpu.memory_space<vmem>> -> memref<1x256x64xf32, #tpu.memory_space<vmem>>
      %dma_start3A_216 = tpu.memref_squeeze %dma_start3A_215 : memref<1x256x64xf32, #tpu.memory_space<vmem>> -> memref<256x64xf32, #tpu.memory_space<vmem>>
      %dma_start3A_217 = arith.constant 0 : i32
      %dma_start3A_218 = tpu.memref_slice %arg4[%multiple_of3A_210, %dma_start3A_217] : memref<819200x64xf32, #tpu.memory_space<hbm>> -> memref<256x64xf32, #tpu.memory_space<hbm>>
      %dma_start3A_219 = tpu.memref_slice %arg8[%dma_start3A_212] : memref<4x!tpu.dma_semaphore, #tpu.memory_space<semaphore_mem>> -> memref<1x!tpu.dma_semaphore, #tpu.memory_space<semaphore_mem>>
      %dma_start3A_220 = tpu.memref_squeeze %dma_start3A_219 : memref<1x!tpu.dma_semaphore, #tpu.memory_space<semaphore_mem>> -> memref<!tpu.dma_semaphore, #tpu.memory_space<semaphore_mem>>
      %dma_start3A_221 = arith.constant 0 : i32
      %dma_start3A_222 = tpu.memref_slice %arg4[%multiple_of3A_210, %dma_start3A_221] : memref<819200x64xf32, #tpu.memory_space<hbm>> -> memref<256x64xf32, #tpu.memory_space<hbm>>
      %dma_start3A_223 = arith.constant 0 : i32
      %dma_start3A_224 = arith.constant 0 : i32
      %dma_start3A_225 = tpu.memref_slice %arg6[%dma_start3A_211, %dma_start3A_223, %dma_start3A_224] : memref<4x256x64xf32, #tpu.memory_space<vmem>> -> memref<1x256x64xf32, #tpu.memory_space<vmem>>
      %dma_start3A_226 = tpu.memref_squeeze %dma_start3A_225 : memref<1x256x64xf32, #tpu.memory_space<vmem>> -> memref<256x64xf32, #tpu.memory_space<vmem>>
      tpu.enqueue_dma source(%dma_start3A_226 : memref<256x64xf32, #tpu.memory_space<vmem>>) target(%dma_start3A_222 : memref<256x64xf32, #tpu.memory_space<hbm>>) target_semaphore(%dma_start3A_220 : memref<!tpu.dma_semaphore, #tpu.memory_space<semaphore_mem>>)
      %sub3A_227 = arith.constant 2 : i32
      %sub3A_228 = arith.subi %add3A_188, %sub3A_227 : i32
      %add3A_229 = arith.constant 4 : i32
      %add3A_230 = arith.addi %sub3A_228, %add3A_229 : i32
      %ge3A_231 = arith.constant 0 : i32
      %ge3A_232 = arith.cmpi sge, %sub3A_228, %ge3A_231 : i32
      %lt3A_233 = arith.constant 100 : i32
      %lt3A_234 = arith.cmpi slt, %add3A_230, %lt3A_233 : i32
      %and3A_235 = arith.andi %ge3A_232, %lt3A_234 : i1
      %convert_element_type3A_236 = arith.extui %and3A_235 : i1 to i32
      %cond3A_237 = arith.constant 0 : i32
      %cond3A_238 = arith.cmpi ne, %convert_element_type3A_236, %cond3A_237 : i32
      scf.if %cond3A_238 {
        %dma_wait3A_348 = arith.constant 3 : i32
        %dma_wait3A_349 = arith.constant 3 : i32
        %dma_wait3A_350 = arith.constant 0 : i32
        %dma_wait3A_351 = arith.constant 0 : i32
        %dma_wait3A_352 = tpu.memref_slice %arg6[%dma_wait3A_348, %dma_wait3A_350, %dma_wait3A_351] : memref<4x256x64xf32, #tpu.memory_space<vmem>> -> memref<1x256x64xf32, #tpu.memory_space<vmem>>
        %dma_wait3A_353 = tpu.memref_squeeze %dma_wait3A_352 : memref<1x256x64xf32, #tpu.memory_space<vmem>> -> memref<256x64xf32, #tpu.memory_space<vmem>>
        %dma_wait3A_354 = arith.constant 0 : i32
        %dma_wait3A_355 = arith.constant 0 : i32
        %dma_wait3A_356 = tpu.memref_slice %arg4[%dma_wait3A_354, %dma_wait3A_355] : memref<819200x64xf32, #tpu.memory_space<hbm>> -> memref<256x64xf32, #tpu.memory_space<hbm>>
        %dma_wait3A_357 = tpu.memref_slice %arg8[%dma_wait3A_349] : memref<4x!tpu.dma_semaphore, #tpu.memory_space<semaphore_mem>> -> memref<1x!tpu.dma_semaphore, #tpu.memory_space<semaphore_mem>>
        %dma_wait3A_358 = tpu.memref_squeeze %dma_wait3A_357 : memref<1x!tpu.dma_semaphore, #tpu.memory_space<semaphore_mem>> -> memref<!tpu.dma_semaphore, #tpu.memory_space<semaphore_mem>>
        %dma_wait3A_359 = arith.constant 0 : i32
        %dma_wait3A_360 = arith.constant 0 : i32
        %dma_wait3A_361 = tpu.memref_slice %arg4[%dma_wait3A_359, %dma_wait3A_360] : memref<819200x64xf32, #tpu.memory_space<hbm>> -> memref<256x64xf32, #tpu.memory_space<hbm>>
        %dma_wait3A_362 = arith.constant 0 : i32
        %dma_wait3A_363 = arith.constant 0 : i32
        %dma_wait3A_364 = tpu.memref_slice %arg6[%dma_wait3A_348, %dma_wait3A_362, %dma_wait3A_363] : memref<4x256x64xf32, #tpu.memory_space<vmem>> -> memref<1x256x64xf32, #tpu.memory_space<vmem>>
        %dma_wait3A_365 = tpu.memref_squeeze %dma_wait3A_364 : memref<1x256x64xf32, #tpu.memory_space<vmem>> -> memref<256x64xf32, #tpu.memory_space<vmem>>
        tpu.wait_dma2 semaphore(%dma_wait3A_358 : memref<!tpu.dma_semaphore, #tpu.memory_space<semaphore_mem>>) src(%dma_wait3A_365 : memref<256x64xf32, #tpu.memory_space<vmem>>) dst(%dma_wait3A_361 : memref<256x64xf32, #tpu.memory_space<hbm>>)
        %mul3A_366 = arith.constant 256 : i32
        %mul3A_367 = arith.muli %add3A_230, %mul3A_366 : i32
        %multiple_of3A_368 = tpu.assume_multiple %mul3A_367, 256 : i32
        %dma_start3A_369 = arith.constant 3 : i32
        %dma_start3A_370 = arith.constant 3 : i32
        %dma_start3A_371 = arith.constant 0 : i32
        %dma_start3A_372 = arith.constant 0 : i32
        %dma_start3A_373 = tpu.memref_slice %arg6[%dma_start3A_369, %dma_start3A_371, %dma_start3A_372] : memref<4x256x64xf32, #tpu.memory_space<vmem>> -> memref<1x256x64xf32, #tpu.memory_space<vmem>>
        %dma_start3A_374 = tpu.memref_squeeze %dma_start3A_373 : memref<1x256x64xf32, #tpu.memory_space<vmem>> -> memref<256x64xf32, #tpu.memory_space<vmem>>
        %dma_start3A_375 = tpu.memref_slice %arg5[%multiple_of3A_368] : memref<25600xi32, #tpu.memory_space<vmem>> -> memref<256xi32, #tpu.memory_space<vmem>>
        %dma_start3A_376 = arith.constant 0 : i32
        %dma_start3A_377 = arith.constant 0 : i32
        %dma_start3A_378 = tpu.memref_slice %arg3[%dma_start3A_376, %dma_start3A_377] : memref<1000000x64xf32, #tpu.memory_space<hbm>> -> memref<1000000x64xf32, #tpu.memory_space<hbm>>
        %dma_start3A_379 = tpu.memref_slice %arg7[%dma_start3A_370] : memref<4x!tpu.dma_semaphore, #tpu.memory_space<semaphore_mem>> -> memref<1x!tpu.dma_semaphore, #tpu.memory_space<semaphore_mem>>
        %dma_start3A_380 = tpu.memref_squeeze %dma_start3A_379 : memref<1x!tpu.dma_semaphore, #tpu.memory_space<semaphore_mem>> -> memref<!tpu.dma_semaphore, #tpu.memory_space<semaphore_mem>>
        tpu.enqueue_indirect_dma source(%dma_start3A_378 : memref<1000000x64xf32, #tpu.memory_space<hbm>>) target(%dma_start3A_374 : memref<256x64xf32, #tpu.memory_space<vmem>>) offsets(%dma_start3A_375 : memref<256xi32, #tpu.memory_space<vmem>>) semaphore(%dma_start3A_380 : memref<!tpu.dma_semaphore, #tpu.memory_space<semaphore_mem>>)
      } else {
      }
      %mul3A_239 = arith.constant 4 : i32
      %mul3A_240 = arith.muli %scan3A_135, %mul3A_239 : i32
      %add3A_241 = arith.constant 2 : i32
      %add3A_242 = arith.addi %mul3A_240, %add3A_241 : i32
      %dma_wait3A_243 = arith.constant 2 : i32
      %dma_wait3A_244 = arith.constant 2 : i32
      %dma_wait3A_245 = arith.constant 0 : i32
      %dma_wait3A_246 = arith.constant 0 : i32
      %dma_wait3A_247 = tpu.memref_slice %arg6[%dma_wait3A_243, %dma_wait3A_245, %dma_wait3A_246] : memref<4x256x64xf32, #tpu.memory_space<vmem>> -> memref<1x256x64xf32, #tpu.memory_space<vmem>>
      %dma_wait3A_248 = tpu.memref_squeeze %dma_wait3A_247 : memref<1x256x64xf32, #tpu.memory_space<vmem>> -> memref<256x64xf32, #tpu.memory_space<vmem>>
      %dma_wait3A_249 = arith.constant 0 : i32
      %dma_wait3A_250 = arith.constant 0 : i32
      %dma_wait3A_251 = tpu.memref_slice %arg3[%dma_wait3A_249, %dma_wait3A_250] : memref<1000000x64xf32, #tpu.memory_space<hbm>> -> memref<256x64xf32, #tpu.memory_space<hbm>>
      %dma_wait3A_252 = tpu.memref_slice %arg7[%dma_wait3A_244] : memref<4x!tpu.dma_semaphore, #tpu.memory_space<semaphore_mem>> -> memref<1x!tpu.dma_semaphore, #tpu.memory_space<semaphore_mem>>
      %dma_wait3A_253 = tpu.memref_squeeze %dma_wait3A_252 : memref<1x!tpu.dma_semaphore, #tpu.memory_space<semaphore_mem>> -> memref<!tpu.dma_semaphore, #tpu.memory_space<semaphore_mem>>
      %dma_wait3A_254 = arith.constant 0 : i32
      %dma_wait3A_255 = arith.constant 0 : i32
      %dma_wait3A_256 = tpu.memref_slice %arg6[%dma_wait3A_243, %dma_wait3A_254, %dma_wait3A_255] : memref<4x256x64xf32, #tpu.memory_space<vmem>> -> memref<1x256x64xf32, #tpu.memory_space<vmem>>
      %dma_wait3A_257 = tpu.memref_squeeze %dma_wait3A_256 : memref<1x256x64xf32, #tpu.memory_space<vmem>> -> memref<256x64xf32, #tpu.memory_space<vmem>>
      %dma_wait3A_258 = arith.constant 0 : i32
      %dma_wait3A_259 = arith.constant 0 : i32
      %dma_wait3A_260 = tpu.memref_slice %arg3[%dma_wait3A_258, %dma_wait3A_259] : memref<1000000x64xf32, #tpu.memory_space<hbm>> -> memref<256x64xf32, #tpu.memory_space<hbm>>
      tpu.wait_dma2 semaphore(%dma_wait3A_253 : memref<!tpu.dma_semaphore, #tpu.memory_space<semaphore_mem>>) src(%dma_wait3A_260 : memref<256x64xf32, #tpu.memory_space<hbm>>) dst(%dma_wait3A_257 : memref<256x64xf32, #tpu.memory_space<vmem>>)
      %mul3A_261 = arith.constant 256 : i32
      %mul3A_262 = arith.muli %add3A_242, %mul3A_261 : i32
      %add3A_263 = arith.addi %multiple_of3A, %mul3A_262 : i32
      %multiple_of3A_264 = tpu.assume_multiple %add3A_263, 256 : i32
      %dma_start3A_265 = arith.constant 2 : i32
      %dma_start3A_266 = arith.constant 2 : i32
      %dma_start3A_267 = arith.constant 0 : i32
      %dma_start3A_268 = arith.constant 0 : i32
      %dma_start3A_269 = tpu.memref_slice %arg6[%dma_start3A_265, %dma_start3A_267, %dma_start3A_268] : memref<4x256x64xf32, #tpu.memory_space<vmem>> -> memref<1x256x64xf32, #tpu.memory_space<vmem>>
      %dma_start3A_270 = tpu.memref_squeeze %dma_start3A_269 : memref<1x256x64xf32, #tpu.memory_space<vmem>> -> memref<256x64xf32, #tpu.memory_space<vmem>>
      %dma_start3A_271 = arith.constant 0 : i32
      %dma_start3A_272 = tpu.memref_slice %arg4[%multiple_of3A_264, %dma_start3A_271] : memref<819200x64xf32, #tpu.memory_space<hbm>> -> memref<256x64xf32, #tpu.memory_space<hbm>>
      %dma_start3A_273 = tpu.memref_slice %arg8[%dma_start3A_266] : memref<4x!tpu.dma_semaphore, #tpu.memory_space<semaphore_mem>> -> memref<1x!tpu.dma_semaphore, #tpu.memory_space<semaphore_mem>>
      %dma_start3A_274 = tpu.memref_squeeze %dma_start3A_273 : memref<1x!tpu.dma_semaphore, #tpu.memory_space<semaphore_mem>> -> memref<!tpu.dma_semaphore, #tpu.memory_space<semaphore_mem>>
      %dma_start3A_275 = arith.constant 0 : i32
      %dma_start3A_276 = tpu.memref_slice %arg4[%multiple_of3A_264, %dma_start3A_275] : memref<819200x64xf32, #tpu.memory_space<hbm>> -> memref<256x64xf32, #tpu.memory_space<hbm>>
      %dma_start3A_277 = arith.constant 0 : i32
      %dma_start3A_278 = arith.constant 0 : i32
      %dma_start3A_279 = tpu.memref_slice %arg6[%dma_start3A_265, %dma_start3A_277, %dma_start3A_278] : memref<4x256x64xf32, #tpu.memory_space<vmem>> -> memref<1x256x64xf32, #tpu.memory_space<vmem>>
      %dma_start3A_280 = tpu.memref_squeeze %dma_start3A_279 : memref<1x256x64xf32, #tpu.memory_space<vmem>> -> memref<256x64xf32, #tpu.memory_space<vmem>>
      tpu.enqueue_dma source(%dma_start3A_280 : memref<256x64xf32, #tpu.memory_space<vmem>>) target(%dma_start3A_276 : memref<256x64xf32, #tpu.memory_space<hbm>>) target_semaphore(%dma_start3A_274 : memref<!tpu.dma_semaphore, #tpu.memory_space<semaphore_mem>>)
      %sub3A_281 = arith.constant 2 : i32
      %sub3A_282 = arith.subi %add3A_242, %sub3A_281 : i32
      %add3A_283 = arith.constant 4 : i32
      %add3A_284 = arith.addi %sub3A_282, %add3A_283 : i32
      %ge3A_285 = arith.constant 0 : i32
      %ge3A_286 = arith.cmpi sge, %sub3A_282, %ge3A_285 : i32
      %lt3A_287 = arith.constant 100 : i32
      %lt3A_288 = arith.cmpi slt, %add3A_284, %lt3A_287 : i32
      %and3A_289 = arith.andi %ge3A_286, %lt3A_288 : i1
      %convert_element_type3A_290 = arith.extui %and3A_289 : i1 to i32
      %cond3A_291 = arith.constant 0 : i32
      %cond3A_292 = arith.cmpi ne, %convert_element_type3A_290, %cond3A_291 : i32
      scf.if %cond3A_292 {
        %dma_wait3A_348 = arith.constant 0 : i32
        %dma_wait3A_349 = arith.constant 0 : i32
        %dma_wait3A_350 = arith.constant 0 : i32
        %dma_wait3A_351 = arith.constant 0 : i32
        %dma_wait3A_352 = tpu.memref_slice %arg6[%dma_wait3A_348, %dma_wait3A_350, %dma_wait3A_351] : memref<4x256x64xf32, #tpu.memory_space<vmem>> -> memref<1x256x64xf32, #tpu.memory_space<vmem>>
        %dma_wait3A_353 = tpu.memref_squeeze %dma_wait3A_352 : memref<1x256x64xf32, #tpu.memory_space<vmem>> -> memref<256x64xf32, #tpu.memory_space<vmem>>
        %dma_wait3A_354 = arith.constant 0 : i32
        %dma_wait3A_355 = arith.constant 0 : i32
        %dma_wait3A_356 = tpu.memref_slice %arg4[%dma_wait3A_354, %dma_wait3A_355] : memref<819200x64xf32, #tpu.memory_space<hbm>> -> memref<256x64xf32, #tpu.memory_space<hbm>>
        %dma_wait3A_357 = tpu.memref_slice %arg8[%dma_wait3A_349] : memref<4x!tpu.dma_semaphore, #tpu.memory_space<semaphore_mem>> -> memref<1x!tpu.dma_semaphore, #tpu.memory_space<semaphore_mem>>
        %dma_wait3A_358 = tpu.memref_squeeze %dma_wait3A_357 : memref<1x!tpu.dma_semaphore, #tpu.memory_space<semaphore_mem>> -> memref<!tpu.dma_semaphore, #tpu.memory_space<semaphore_mem>>
        %dma_wait3A_359 = arith.constant 0 : i32
        %dma_wait3A_360 = arith.constant 0 : i32
        %dma_wait3A_361 = tpu.memref_slice %arg4[%dma_wait3A_359, %dma_wait3A_360] : memref<819200x64xf32, #tpu.memory_space<hbm>> -> memref<256x64xf32, #tpu.memory_space<hbm>>
        %dma_wait3A_362 = arith.constant 0 : i32
        %dma_wait3A_363 = arith.constant 0 : i32
        %dma_wait3A_364 = tpu.memref_slice %arg6[%dma_wait3A_348, %dma_wait3A_362, %dma_wait3A_363] : memref<4x256x64xf32, #tpu.memory_space<vmem>> -> memref<1x256x64xf32, #tpu.memory_space<vmem>>
        %dma_wait3A_365 = tpu.memref_squeeze %dma_wait3A_364 : memref<1x256x64xf32, #tpu.memory_space<vmem>> -> memref<256x64xf32, #tpu.memory_space<vmem>>
        tpu.wait_dma2 semaphore(%dma_wait3A_358 : memref<!tpu.dma_semaphore, #tpu.memory_space<semaphore_mem>>) src(%dma_wait3A_365 : memref<256x64xf32, #tpu.memory_space<vmem>>) dst(%dma_wait3A_361 : memref<256x64xf32, #tpu.memory_space<hbm>>)
        %mul3A_366 = arith.constant 256 : i32
        %mul3A_367 = arith.muli %add3A_284, %mul3A_366 : i32
        %multiple_of3A_368 = tpu.assume_multiple %mul3A_367, 256 : i32
        %dma_start3A_369 = arith.constant 0 : i32
        %dma_start3A_370 = arith.constant 0 : i32
        %dma_start3A_371 = arith.constant 0 : i32
        %dma_start3A_372 = arith.constant 0 : i32
        %dma_start3A_373 = tpu.memref_slice %arg6[%dma_start3A_369, %dma_start3A_371, %dma_start3A_372] : memref<4x256x64xf32, #tpu.memory_space<vmem>> -> memref<1x256x64xf32, #tpu.memory_space<vmem>>
        %dma_start3A_374 = tpu.memref_squeeze %dma_start3A_373 : memref<1x256x64xf32, #tpu.memory_space<vmem>> -> memref<256x64xf32, #tpu.memory_space<vmem>>
        %dma_start3A_375 = tpu.memref_slice %arg5[%multiple_of3A_368] : memref<25600xi32, #tpu.memory_space<vmem>> -> memref<256xi32, #tpu.memory_space<vmem>>
        %dma_start3A_376 = arith.constant 0 : i32
        %dma_start3A_377 = arith.constant 0 : i32
        %dma_start3A_378 = tpu.memref_slice %arg3[%dma_start3A_376, %dma_start3A_377] : memref<1000000x64xf32, #tpu.memory_space<hbm>> -> memref<1000000x64xf32, #tpu.memory_space<hbm>>
        %dma_start3A_379 = tpu.memref_slice %arg7[%dma_start3A_370] : memref<4x!tpu.dma_semaphore, #tpu.memory_space<semaphore_mem>> -> memref<1x!tpu.dma_semaphore, #tpu.memory_space<semaphore_mem>>
        %dma_start3A_380 = tpu.memref_squeeze %dma_start3A_379 : memref<1x!tpu.dma_semaphore, #tpu.memory_space<semaphore_mem>> -> memref<!tpu.dma_semaphore, #tpu.memory_space<semaphore_mem>>
        tpu.enqueue_indirect_dma source(%dma_start3A_378 : memref<1000000x64xf32, #tpu.memory_space<hbm>>) target(%dma_start3A_374 : memref<256x64xf32, #tpu.memory_space<vmem>>) offsets(%dma_start3A_375 : memref<256xi32, #tpu.memory_space<vmem>>) semaphore(%dma_start3A_380 : memref<!tpu.dma_semaphore, #tpu.memory_space<semaphore_mem>>)
      } else {
      }
      %mul3A_293 = arith.constant 4 : i32
      %mul3A_294 = arith.muli %scan3A_135, %mul3A_293 : i32
      %add3A_295 = arith.constant 3 : i32
      %add3A_296 = arith.addi %mul3A_294, %add3A_295 : i32
      %dma_wait3A_297 = arith.constant 3 : i32
      %dma_wait3A_298 = arith.constant 3 : i32
      %dma_wait3A_299 = arith.constant 0 : i32
      %dma_wait3A_300 = arith.constant 0 : i32
      %dma_wait3A_301 = tpu.memref_slice %arg6[%dma_wait3A_297, %dma_wait3A_299, %dma_wait3A_300] : memref<4x256x64xf32, #tpu.memory_space<vmem>> -> memref<1x256x64xf32, #tpu.memory_space<vmem>>
      %dma_wait3A_302 = tpu.memref_squeeze %dma_wait3A_301 : memref<1x256x64xf32, #tpu.memory_space<vmem>> -> memref<256x64xf32, #tpu.memory_space<vmem>>
      %dma_wait3A_303 = arith.constant 0 : i32
      %dma_wait3A_304 = arith.constant 0 : i32
      %dma_wait3A_305 = tpu.memref_slice %arg3[%dma_wait3A_303, %dma_wait3A_304] : memref<1000000x64xf32, #tpu.memory_space<hbm>> -> memref<256x64xf32, #tpu.memory_space<hbm>>
      %dma_wait3A_306 = tpu.memref_slice %arg7[%dma_wait3A_298] : memref<4x!tpu.dma_semaphore, #tpu.memory_space<semaphore_mem>> -> memref<1x!tpu.dma_semaphore, #tpu.memory_space<semaphore_mem>>
      %dma_wait3A_307 = tpu.memref_squeeze %dma_wait3A_306 : memref<1x!tpu.dma_semaphore, #tpu.memory_space<semaphore_mem>> -> memref<!tpu.dma_semaphore, #tpu.memory_space<semaphore_mem>>
      %dma_wait3A_308 = arith.constant 0 : i32
      %dma_wait3A_309 = arith.constant 0 : i32
      %dma_wait3A_310 = tpu.memref_slice %arg6[%dma_wait3A_297, %dma_wait3A_308, %dma_wait3A_309] : memref<4x256x64xf32, #tpu.memory_space<vmem>> -> memref<1x256x64xf32, #tpu.memory_space<vmem>>
      %dma_wait3A_311 = tpu.memref_squeeze %dma_wait3A_310 : memref<1x256x64xf32, #tpu.memory_space<vmem>> -> memref<256x64xf32, #tpu.memory_space<vmem>>
      %dma_wait3A_312 = arith.constant 0 : i32
      %dma_wait3A_313 = arith.constant 0 : i32
      %dma_wait3A_314 = tpu.memref_slice %arg3[%dma_wait3A_312, %dma_wait3A_313] : memref<1000000x64xf32, #tpu.memory_space<hbm>> -> memref<256x64xf32, #tpu.memory_space<hbm>>
      tpu.wait_dma2 semaphore(%dma_wait3A_307 : memref<!tpu.dma_semaphore, #tpu.memory_space<semaphore_mem>>) src(%dma_wait3A_314 : memref<256x64xf32, #tpu.memory_space<hbm>>) dst(%dma_wait3A_311 : memref<256x64xf32, #tpu.memory_space<vmem>>)
      %mul3A_315 = arith.constant 256 : i32
      %mul3A_316 = arith.muli %add3A_296, %mul3A_315 : i32
      %add3A_317 = arith.addi %multiple_of3A, %mul3A_316 : i32
      %multiple_of3A_318 = tpu.assume_multiple %add3A_317, 256 : i32
      %dma_start3A_319 = arith.constant 3 : i32
      %dma_start3A_320 = arith.constant 3 : i32
      %dma_start3A_321 = arith.constant 0 : i32
      %dma_start3A_322 = arith.constant 0 : i32
      %dma_start3A_323 = tpu.memref_slice %arg6[%dma_start3A_319, %dma_start3A_321, %dma_start3A_322] : memref<4x256x64xf32, #tpu.memory_space<vmem>> -> memref<1x256x64xf32, #tpu.memory_space<vmem>>
      %dma_start3A_324 = tpu.memref_squeeze %dma_start3A_323 : memref<1x256x64xf32, #tpu.memory_space<vmem>> -> memref<256x64xf32, #tpu.memory_space<vmem>>
      %dma_start3A_325 = arith.constant 0 : i32
      %dma_start3A_326 = tpu.memref_slice %arg4[%multiple_of3A_318, %dma_start3A_325] : memref<819200x64xf32, #tpu.memory_space<hbm>> -> memref<256x64xf32, #tpu.memory_space<hbm>>
      %dma_start3A_327 = tpu.memref_slice %arg8[%dma_start3A_320] : memref<4x!tpu.dma_semaphore, #tpu.memory_space<semaphore_mem>> -> memref<1x!tpu.dma_semaphore, #tpu.memory_space<semaphore_mem>>
      %dma_start3A_328 = tpu.memref_squeeze %dma_start3A_327 : memref<1x!tpu.dma_semaphore, #tpu.memory_space<semaphore_mem>> -> memref<!tpu.dma_semaphore, #tpu.memory_space<semaphore_mem>>
      %dma_start3A_329 = arith.constant 0 : i32
      %dma_start3A_330 = tpu.memref_slice %arg4[%multiple_of3A_318, %dma_start3A_329] : memref<819200x64xf32, #tpu.memory_space<hbm>> -> memref<256x64xf32, #tpu.memory_space<hbm>>
      %dma_start3A_331 = arith.constant 0 : i32
      %dma_start3A_332 = arith.constant 0 : i32
      %dma_start3A_333 = tpu.memref_slice %arg6[%dma_start3A_319, %dma_start3A_331, %dma_start3A_332] : memref<4x256x64xf32, #tpu.memory_space<vmem>> -> memref<1x256x64xf32, #tpu.memory_space<vmem>>
      %dma_start3A_334 = tpu.memref_squeeze %dma_start3A_333 : memref<1x256x64xf32, #tpu.memory_space<vmem>> -> memref<256x64xf32, #tpu.memory_space<vmem>>
      tpu.enqueue_dma source(%dma_start3A_334 : memref<256x64xf32, #tpu.memory_space<vmem>>) target(%dma_start3A_330 : memref<256x64xf32, #tpu.memory_space<hbm>>) target_semaphore(%dma_start3A_328 : memref<!tpu.dma_semaphore, #tpu.memory_space<semaphore_mem>>)
      %sub3A_335 = arith.constant 2 : i32
      %sub3A_336 = arith.subi %add3A_296, %sub3A_335 : i32
      %add3A_337 = arith.constant 4 : i32
      %add3A_338 = arith.addi %sub3A_336, %add3A_337 : i32
      %ge3A_339 = arith.constant 0 : i32
      %ge3A_340 = arith.cmpi sge, %sub3A_336, %ge3A_339 : i32
      %lt3A_341 = arith.constant 100 : i32
      %lt3A_342 = arith.cmpi slt, %add3A_338, %lt3A_341 : i32
      %and3A_343 = arith.andi %ge3A_340, %lt3A_342 : i1
      %convert_element_type3A_344 = arith.extui %and3A_343 : i1 to i32
      %cond3A_345 = arith.constant 0 : i32
      %cond3A_346 = arith.cmpi ne, %convert_element_type3A_344, %cond3A_345 : i32
      scf.if %cond3A_346 {
        %dma_wait3A_348 = arith.constant 1 : i32
        %dma_wait3A_349 = arith.constant 1 : i32
        %dma_wait3A_350 = arith.constant 0 : i32
        %dma_wait3A_351 = arith.constant 0 : i32
        %dma_wait3A_352 = tpu.memref_slice %arg6[%dma_wait3A_348, %dma_wait3A_350, %dma_wait3A_351] : memref<4x256x64xf32, #tpu.memory_space<vmem>> -> memref<1x256x64xf32, #tpu.memory_space<vmem>>
        %dma_wait3A_353 = tpu.memref_squeeze %dma_wait3A_352 : memref<1x256x64xf32, #tpu.memory_space<vmem>> -> memref<256x64xf32, #tpu.memory_space<vmem>>
        %dma_wait3A_354 = arith.constant 0 : i32
        %dma_wait3A_355 = arith.constant 0 : i32
        %dma_wait3A_356 = tpu.memref_slice %arg4[%dma_wait3A_354, %dma_wait3A_355] : memref<819200x64xf32, #tpu.memory_space<hbm>> -> memref<256x64xf32, #tpu.memory_space<hbm>>
        %dma_wait3A_357 = tpu.memref_slice %arg8[%dma_wait3A_349] : memref<4x!tpu.dma_semaphore, #tpu.memory_space<semaphore_mem>> -> memref<1x!tpu.dma_semaphore, #tpu.memory_space<semaphore_mem>>
        %dma_wait3A_358 = tpu.memref_squeeze %dma_wait3A_357 : memref<1x!tpu.dma_semaphore, #tpu.memory_space<semaphore_mem>> -> memref<!tpu.dma_semaphore, #tpu.memory_space<semaphore_mem>>
        %dma_wait3A_359 = arith.constant 0 : i32
        %dma_wait3A_360 = arith.constant 0 : i32
        %dma_wait3A_361 = tpu.memref_slice %arg4[%dma_wait3A_359, %dma_wait3A_360] : memref<819200x64xf32, #tpu.memory_space<hbm>> -> memref<256x64xf32, #tpu.memory_space<hbm>>
        %dma_wait3A_362 = arith.constant 0 : i32
        %dma_wait3A_363 = arith.constant 0 : i32
        %dma_wait3A_364 = tpu.memref_slice %arg6[%dma_wait3A_348, %dma_wait3A_362, %dma_wait3A_363] : memref<4x256x64xf32, #tpu.memory_space<vmem>> -> memref<1x256x64xf32, #tpu.memory_space<vmem>>
        %dma_wait3A_365 = tpu.memref_squeeze %dma_wait3A_364 : memref<1x256x64xf32, #tpu.memory_space<vmem>> -> memref<256x64xf32, #tpu.memory_space<vmem>>
        tpu.wait_dma2 semaphore(%dma_wait3A_358 : memref<!tpu.dma_semaphore, #tpu.memory_space<semaphore_mem>>) src(%dma_wait3A_365 : memref<256x64xf32, #tpu.memory_space<vmem>>) dst(%dma_wait3A_361 : memref<256x64xf32, #tpu.memory_space<hbm>>)
        %mul3A_366 = arith.constant 256 : i32
        %mul3A_367 = arith.muli %add3A_338, %mul3A_366 : i32
        %multiple_of3A_368 = tpu.assume_multiple %mul3A_367, 256 : i32
        %dma_start3A_369 = arith.constant 1 : i32
        %dma_start3A_370 = arith.constant 1 : i32
        %dma_start3A_371 = arith.constant 0 : i32
        %dma_start3A_372 = arith.constant 0 : i32
        %dma_start3A_373 = tpu.memref_slice %arg6[%dma_start3A_369, %dma_start3A_371, %dma_start3A_372] : memref<4x256x64xf32, #tpu.memory_space<vmem>> -> memref<1x256x64xf32, #tpu.memory_space<vmem>>
        %dma_start3A_374 = tpu.memref_squeeze %dma_start3A_373 : memref<1x256x64xf32, #tpu.memory_space<vmem>> -> memref<256x64xf32, #tpu.memory_space<vmem>>
        %dma_start3A_375 = tpu.memref_slice %arg5[%multiple_of3A_368] : memref<25600xi32, #tpu.memory_space<vmem>> -> memref<256xi32, #tpu.memory_space<vmem>>
        %dma_start3A_376 = arith.constant 0 : i32
        %dma_start3A_377 = arith.constant 0 : i32
        %dma_start3A_378 = tpu.memref_slice %arg3[%dma_start3A_376, %dma_start3A_377] : memref<1000000x64xf32, #tpu.memory_space<hbm>> -> memref<1000000x64xf32, #tpu.memory_space<hbm>>
        %dma_start3A_379 = tpu.memref_slice %arg7[%dma_start3A_370] : memref<4x!tpu.dma_semaphore, #tpu.memory_space<semaphore_mem>> -> memref<1x!tpu.dma_semaphore, #tpu.memory_space<semaphore_mem>>
        %dma_start3A_380 = tpu.memref_squeeze %dma_start3A_379 : memref<1x!tpu.dma_semaphore, #tpu.memory_space<semaphore_mem>> -> memref<!tpu.dma_semaphore, #tpu.memory_space<semaphore_mem>>
        tpu.enqueue_indirect_dma source(%dma_start3A_378 : memref<1000000x64xf32, #tpu.memory_space<hbm>>) target(%dma_start3A_374 : memref<256x64xf32, #tpu.memory_space<vmem>>) offsets(%dma_start3A_375 : memref<256xi32, #tpu.memory_space<vmem>>) semaphore(%dma_start3A_380 : memref<!tpu.dma_semaphore, #tpu.memory_space<semaphore_mem>>)
      } else {
      }
      %scan3A_347 = arith.constant 0 : i32
      scf.yield %scan3A_347 : i32
    }
    %scan3A_63 = arith.constant 25 : i32
    %dma_wait3A = arith.constant 0 : i32
    %dma_wait3A_64 = arith.constant 0 : i32
    %dma_wait3A_65 = arith.constant 0 : i32
    %dma_wait3A_66 = arith.constant 0 : i32
    %dma_wait3A_67 = tpu.memref_slice %arg6[%dma_wait3A, %dma_wait3A_65, %dma_wait3A_66] : memref<4x256x64xf32, #tpu.memory_space<vmem>> -> memref<1x256x64xf32, #tpu.memory_space<vmem>>
    %dma_wait3A_68 = tpu.memref_squeeze %dma_wait3A_67 : memref<1x256x64xf32, #tpu.memory_space<vmem>> -> memref<256x64xf32, #tpu.memory_space<vmem>>
    %dma_wait3A_69 = arith.constant 0 : i32
    %dma_wait3A_70 = arith.constant 0 : i32
    %dma_wait3A_71 = tpu.memref_slice %arg4[%dma_wait3A_69, %dma_wait3A_70] : memref<819200x64xf32, #tpu.memory_space<hbm>> -> memref<256x64xf32, #tpu.memory_space<hbm>>
    %dma_wait3A_72 = tpu.memref_slice %arg8[%dma_wait3A_64] : memref<4x!tpu.dma_semaphore, #tpu.memory_space<semaphore_mem>> -> memref<1x!tpu.dma_semaphore, #tpu.memory_space<semaphore_mem>>
    %dma_wait3A_73 = tpu.memref_squeeze %dma_wait3A_72 : memref<1x!tpu.dma_semaphore, #tpu.memory_space<semaphore_mem>> -> memref<!tpu.dma_semaphore, #tpu.memory_space<semaphore_mem>>
    %dma_wait3A_74 = arith.constant 0 : i32
    %dma_wait3A_75 = arith.constant 0 : i32
    %dma_wait3A_76 = tpu.memref_slice %arg4[%dma_wait3A_74, %dma_wait3A_75] : memref<819200x64xf32, #tpu.memory_space<hbm>> -> memref<256x64xf32, #tpu.memory_space<hbm>>
    %dma_wait3A_77 = arith.constant 0 : i32
    %dma_wait3A_78 = arith.constant 0 : i32
    %dma_wait3A_79 = tpu.memref_slice %arg6[%dma_wait3A, %dma_wait3A_77, %dma_wait3A_78] : memref<4x256x64xf32, #tpu.memory_space<vmem>> -> memref<1x256x64xf32, #tpu.memory_space<vmem>>
    %dma_wait3A_80 = tpu.memref_squeeze %dma_wait3A_79 : memref<1x256x64xf32, #tpu.memory_space<vmem>> -> memref<256x64xf32, #tpu.memory_space<vmem>>
    tpu.wait_dma2 semaphore(%dma_wait3A_73 : memref<!tpu.dma_semaphore, #tpu.memory_space<semaphore_mem>>) src(%dma_wait3A_80 : memref<256x64xf32, #tpu.memory_space<vmem>>) dst(%dma_wait3A_76 : memref<256x64xf32, #tpu.memory_space<hbm>>)
    %dma_wait3A_81 = arith.constant 1 : i32
    %dma_wait3A_82 = arith.constant 1 : i32
    %dma_wait3A_83 = arith.constant 0 : i32
    %dma_wait3A_84 = arith.constant 0 : i32
    %dma_wait3A_85 = tpu.memref_slice %arg6[%dma_wait3A_81, %dma_wait3A_83, %dma_wait3A_84] : memref<4x256x64xf32, #tpu.memory_space<vmem>> -> memref<1x256x64xf32, #tpu.memory_space<vmem>>
    %dma_wait3A_86 = tpu.memref_squeeze %dma_wait3A_85 : memref<1x256x64xf32, #tpu.memory_space<vmem>> -> memref<256x64xf32, #tpu.memory_space<vmem>>
    %dma_wait3A_87 = arith.constant 0 : i32
    %dma_wait3A_88 = arith.constant 0 : i32
    %dma_wait3A_89 = tpu.memref_slice %arg4[%dma_wait3A_87, %dma_wait3A_88] : memref<819200x64xf32, #tpu.memory_space<hbm>> -> memref<256x64xf32, #tpu.memory_space<hbm>>
    %dma_wait3A_90 = tpu.memref_slice %arg8[%dma_wait3A_82] : memref<4x!tpu.dma_semaphore, #tpu.memory_space<semaphore_mem>> -> memref<1x!tpu.dma_semaphore, #tpu.memory_space<semaphore_mem>>
    %dma_wait3A_91 = tpu.memref_squeeze %dma_wait3A_90 : memref<1x!tpu.dma_semaphore, #tpu.memory_space<semaphore_mem>> -> memref<!tpu.dma_semaphore, #tpu.memory_space<semaphore_mem>>
    %dma_wait3A_92 = arith.constant 0 : i32
    %dma_wait3A_93 = arith.constant 0 : i32
    %dma_wait3A_94 = tpu.memref_slice %arg4[%dma_wait3A_92, %dma_wait3A_93] : memref<819200x64xf32, #tpu.memory_space<hbm>> -> memref<256x64xf32, #tpu.memory_space<hbm>>
    %dma_wait3A_95 = arith.constant 0 : i32
    %dma_wait3A_96 = arith.constant 0 : i32
    %dma_wait3A_97 = tpu.memref_slice %arg6[%dma_wait3A_81, %dma_wait3A_95, %dma_wait3A_96] : memref<4x256x64xf32, #tpu.memory_space<vmem>> -> memref<1x256x64xf32, #tpu.memory_space<vmem>>
    %dma_wait3A_98 = tpu.memref_squeeze %dma_wait3A_97 : memref<1x256x64xf32, #tpu.memory_space<vmem>> -> memref<256x64xf32, #tpu.memory_space<vmem>>
    tpu.wait_dma2 semaphore(%dma_wait3A_91 : memref<!tpu.dma_semaphore, #tpu.memory_space<semaphore_mem>>) src(%dma_wait3A_98 : memref<256x64xf32, #tpu.memory_space<vmem>>) dst(%dma_wait3A_94 : memref<256x64xf32, #tpu.memory_space<hbm>>)
    %dma_wait3A_99 = arith.constant 2 : i32
    %dma_wait3A_100 = arith.constant 2 : i32
    %dma_wait3A_101 = arith.constant 0 : i32
    %dma_wait3A_102 = arith.constant 0 : i32
    %dma_wait3A_103 = tpu.memref_slice %arg6[%dma_wait3A_99, %dma_wait3A_101, %dma_wait3A_102] : memref<4x256x64xf32, #tpu.memory_space<vmem>> -> memref<1x256x64xf32, #tpu.memory_space<vmem>>
    %dma_wait3A_104 = tpu.memref_squeeze %dma_wait3A_103 : memref<1x256x64xf32, #tpu.memory_space<vmem>> -> memref<256x64xf32, #tpu.memory_space<vmem>>
    %dma_wait3A_105 = arith.constant 0 : i32
    %dma_wait3A_106 = arith.constant 0 : i32
    %dma_wait3A_107 = tpu.memref_slice %arg4[%dma_wait3A_105, %dma_wait3A_106] : memref<819200x64xf32, #tpu.memory_space<hbm>> -> memref<256x64xf32, #tpu.memory_space<hbm>>
    %dma_wait3A_108 = tpu.memref_slice %arg8[%dma_wait3A_100] : memref<4x!tpu.dma_semaphore, #tpu.memory_space<semaphore_mem>> -> memref<1x!tpu.dma_semaphore, #tpu.memory_space<semaphore_mem>>
    %dma_wait3A_109 = tpu.memref_squeeze %dma_wait3A_108 : memref<1x!tpu.dma_semaphore, #tpu.memory_space<semaphore_mem>> -> memref<!tpu.dma_semaphore, #tpu.memory_space<semaphore_mem>>
    %dma_wait3A_110 = arith.constant 0 : i32
    %dma_wait3A_111 = arith.constant 0 : i32
    %dma_wait3A_112 = tpu.memref_slice %arg4[%dma_wait3A_110, %dma_wait3A_111] : memref<819200x64xf32, #tpu.memory_space<hbm>> -> memref<256x64xf32, #tpu.memory_space<hbm>>
    %dma_wait3A_113 = arith.constant 0 : i32
    %dma_wait3A_114 = arith.constant 0 : i32
    %dma_wait3A_115 = tpu.memref_slice %arg6[%dma_wait3A_99, %dma_wait3A_113, %dma_wait3A_114] : memref<4x256x64xf32, #tpu.memory_space<vmem>> -> memref<1x256x64xf32, #tpu.memory_space<vmem>>
    %dma_wait3A_116 = tpu.memref_squeeze %dma_wait3A_115 : memref<1x256x64xf32, #tpu.memory_space<vmem>> -> memref<256x64xf32, #tpu.memory_space<vmem>>
    tpu.wait_dma2 semaphore(%dma_wait3A_109 : memref<!tpu.dma_semaphore, #tpu.memory_space<semaphore_mem>>) src(%dma_wait3A_116 : memref<256x64xf32, #tpu.memory_space<vmem>>) dst(%dma_wait3A_112 : memref<256x64xf32, #tpu.memory_space<hbm>>)
    %dma_wait3A_117 = arith.constant 3 : i32
    %dma_wait3A_118 = arith.constant 3 : i32
    %dma_wait3A_119 = arith.constant 0 : i32
    %dma_wait3A_120 = arith.constant 0 : i32
    %dma_wait3A_121 = tpu.memref_slice %arg6[%dma_wait3A_117, %dma_wait3A_119, %dma_wait3A_120] : memref<4x256x64xf32, #tpu.memory_space<vmem>> -> memref<1x256x64xf32, #tpu.memory_space<vmem>>
    %dma_wait3A_122 = tpu.memref_squeeze %dma_wait3A_121 : memref<1x256x64xf32, #tpu.memory_space<vmem>> -> memref<256x64xf32, #tpu.memory_space<vmem>>
    %dma_wait3A_123 = arith.constant 0 : i32
    %dma_wait3A_124 = arith.constant 0 : i32
    %dma_wait3A_125 = tpu.memref_slice %arg4[%dma_wait3A_123, %dma_wait3A_124] : memref<819200x64xf32, #tpu.memory_space<hbm>> -> memref<256x64xf32, #tpu.memory_space<hbm>>
    %dma_wait3A_126 = tpu.memref_slice %arg8[%dma_wait3A_118] : memref<4x!tpu.dma_semaphore, #tpu.memory_space<semaphore_mem>> -> memref<1x!tpu.dma_semaphore, #tpu.memory_space<semaphore_mem>>
    %dma_wait3A_127 = tpu.memref_squeeze %dma_wait3A_126 : memref<1x!tpu.dma_semaphore, #tpu.memory_space<semaphore_mem>> -> memref<!tpu.dma_semaphore, #tpu.memory_space<semaphore_mem>>
    %dma_wait3A_128 = arith.constant 0 : i32
    %dma_wait3A_129 = arith.constant 0 : i32
    %dma_wait3A_130 = tpu.memref_slice %arg4[%dma_wait3A_128, %dma_wait3A_129] : memref<819200x64xf32, #tpu.memory_space<hbm>> -> memref<256x64xf32, #tpu.memory_space<hbm>>
    %dma_wait3A_131 = arith.constant 0 : i32
    %dma_wait3A_132 = arith.constant 0 : i32
    %dma_wait3A_133 = tpu.memref_slice %arg6[%dma_wait3A_117, %dma_wait3A_131, %dma_wait3A_132] : memref<4x256x64xf32, #tpu.memory_space<vmem>> -> memref<1x256x64xf32, #tpu.memory_space<vmem>>
    %dma_wait3A_134 = tpu.memref_squeeze %dma_wait3A_133 : memref<1x256x64xf32, #tpu.memory_space<vmem>> -> memref<256x64xf32, #tpu.memory_space<vmem>>
    tpu.wait_dma2 semaphore(%dma_wait3A_127 : memref<!tpu.dma_semaphore, #tpu.memory_space<semaphore_mem>>) src(%dma_wait3A_134 : memref<256x64xf32, #tpu.memory_space<vmem>>) dst(%dma_wait3A_130 : memref<256x64xf32, #tpu.memory_space<hbm>>)
    return
  }
}

</mosaic_0001>

<sc_bundles>
// kernel: _run.3.cloned.1.call-start
scs
__scs_entry_jumppad:
0x0: {  	(pc) =	sbr.rel $0x88, $3  }
0x1: {  	(tag) =	ssettag $0x0;
	lr =	simm.s32 $0x1  }
0x2: {  	[smem:$0x3F9F] =	sst lr;
	_ =	strace $0xD0000000  }
0x3: {  	_ = 	snop  }
0x4: {  	_ = 	snop  }
0x5: {  	_ = 	snop  }
0x6: {  	_ = 	snop  }
0x7: {  	_ = 	snop  }
__scs_overlays_trampoline_lowered:
0x8: {  	[smem:$0x3FAE] =	sst s0  }
0x9: {  	[smem:$0x3FAF] =	sst s1  }
0xa: {  	[smem:$0x3FB0] =	sst s2  }
0xb: {  	[smem:$0x3FB1] =	sst s3  }
0xc: {  	[smem:$0x3FB2] =	sst s4  }
0xd: {  	[smem:$0x3FB3] =	sst s5  }
0xe: {  	[smem:$0x3FB4] =	sst s6  }
0xf: {  	[smem:$0x3FB5] =	sst s7  }
0x10: {  	[smem:$0x3FB6] =	sst s8  }
0x11: {  	[smem:$0x3FB7] =	sst s9;
	s0 =	simm.s32 @!p0 $0x0  }
0x12: {  	s1 =	sld [smem:$0x3F9D];
	s0 =	simm.s32 @p0 $0x1  }
0x13: {  	[smem:$0x3FB8] =	sst s0;
	s0 =	simm.s32 @!p1 $0x0  }
0x14: {  	s2 =	sld [smem:$0x3F9C];
	s0 =	simm.s32 @p1 $0x1  }
0x15: {  	[smem:$0x3FB9] =	sst s0;
	s0 =	simm.s32 @!p2 $0x0  }
0x16: {  	s3 =	sld [smem:$0x3FDB];
	s0 =	simm.s32 @p2 $0x1  }
0x17: {  	s4 =	simm.s32 $0x1BF5;
	[smem:$0x3FBB] =	sst s0  }
0x18: {  	s0 =	sld [smem:$0x3F9E];
	_ =	swait.ge [sflag:s4], $0x0  }
0x19: {  	s7 =	sld [smem:$0x3F9F]  }
0x1a: {  	s8 =	sadd.s32 $0xFFFFE003, lr  }
0x1b: {  	s9 =	sadd.s32 $0xFFFFFEF7, lr;
	s5 =	simm.s32 $0xFFFFFFFF;
	p2 =	slt.u32 s8, $0xFFFFF086  }
0x1c: {  	p1 =	slt.u32 s9, $0xF7A;
	s5 =	simm.s32 @!p2 $0x0  }
0x1d: {  	s5 =	simm.s32 @p1 $0x1;
	p0 =	seq.s32 s7, s2  }
0x1e: {  	s7 =	smul.u32 @!p0 $0xF7A, s2;
	p2 =	seq.s32 @!p0 s5, $0x0  }
0x1f: {  	s9 =	smul.u32 $0xF7A, s1;
	s8 =	simm.s32 @!p0 $0x1BF5;
	p2 =	por !p2, p0  }
0x20: {  	[sflag:s8] =	ssyncset.s32 @!p0 $0xFFFFF086;
	s6 =	sadd.s32 @!p0 s3, s7;
	s7 =	simm.s32 @!p0 $0x108  }
0x21: {  	s3 =	sadd.s32 s3, s9;
	s6 =	sadd.s32 @!p0 $0x88, s6;
	s7 =	simm.s32 @p2 $0x1082  }
0x22: {  	[simem:s7], [sflag:s8] =	dma.local @!p0 [hbm:s6], $0xF7A  }
0x23: {  	s9 =	sor.u32 $0xD0000000, s2;
	s6 =	simm.s32 $0x108;
	_ =	swait.ge @!p0 [sflag:s8], $0x0  }
0x24: {  	s3 =	sadd.s32 $0x88, s3;
	s6 =	simm.s32 @!p1 $0x1082;
	[sflag:s4] =	ssyncset.s32 $0xFFFFF086  }
0x25: {  	[simem:s6], [sflag:s4] =	dma.local [hbm:s3], $0xF7A  }
0x26: {  	[smem:$0x3F9F] =	sst s1;
	(tag) =	ssettag s2;
	_ =	strace s9  }
0x27: {  	s1 =	sld [smem:$0x3FAF]  }
0x28: {  	s2 =	sld [smem:$0x3FB0]  }
0x29: {  	s4 =	sld [smem:$0x3FB2]  }
0x2a: {  	p0 =	seq.s32 s5, $0x0;
	s5 =	sld [smem:$0x3FB3]  }
0x2b: {  	s6 =	sld [smem:$0x3FB4]  }
0x2c: {  	s7 =	sld [smem:$0x3FB5]  }
0x2d: {  	s3 =	simm.s32 $0x108;
	s8 =	sld [smem:$0x3FB6]  }
0x2e: {  	s3 =	simm.s32 @!p0 $0x1082;
	s9 =	sld [smem:$0x3FB7]  }
0x2f: {  	lr =	sadd.s32 s0, s3;
	s0 =	sld [smem:$0x3FAE]  }
0x30: {  	s3 =	sld [smem:$0x3FB1]  }
0x31: {  	[smem:$0x3FBA] =	sst s10  }
0x32: {  	s10 =	sld [smem:$0x3FB8];
	_ =	sdelay $0x3  }
0x33: {  	p0 =	seq.s32 s10, $0x1;
	s10 =	sld [smem:$0x3FBA];
	_ =	sdelay $0x3  }
0x34: {  	[smem:$0x3FBA] =	sst s10  }
0x35: {  	s10 =	sld [smem:$0x3FB9];
	_ =	sdelay $0x3  }
0x36: {  	p1 =	seq.s32 s10, $0x1;
	s10 =	sld [smem:$0x3FBA];
	_ =	sdelay $0x3  }
0x37: {  	[smem:$0x3FBA] =	sst s10  }
0x38: {  	s10 =	sld [smem:$0x3FBB]  }
0x39: {  	_ = 	snop;
	(pc) =	sbr.ind lr, $3  }
0x3a: {  	_ = 	snop  }
0x3b: {  	_ = 	snop  }
0x3c: {  	p2 =	seq.s32 s10, $0x1;
	s10 =	sld [smem:$0x3FBA]  }
0x3d: {  	_ =	shalt  }
0x3e: {  	_ =	shalt  }
0x3f: {  	_ =	shalt  }
0x40: {  	_ =	shalt  }
0x41: {  	_ =	shalt  }
0x42: {  	_ =	shalt  }
0x43: {  	_ =	shalt  }
0x44: {  	_ =	shalt  }
0x45: {  	_ =	shalt  }
0x46: {  	_ =	shalt  }
0x47: {  	_ =	shalt  }
0x48: {  	_ =	shalt  }
0x49: {  	_ =	shalt  }
0x4a: {  	_ =	shalt  }
0x4b: {  	_ =	shalt  }
0x4c: {  	_ =	shalt  }
0x4d: {  	_ =	shalt  }
0x4e: {  	_ =	shalt  }
0x4f: {  	_ =	shalt  }
0x50: {  	_ =	shalt  }
0x51: {  	_ =	shalt  }
0x52: {  	_ =	shalt  }
0x53: {  	_ =	shalt  }
0x54: {  	_ =	shalt  }
0x55: {  	_ =	shalt  }
0x56: {  	_ =	shalt  }
0x57: {  	_ =	shalt  }
0x58: {  	_ =	shalt  }
0x59: {  	_ =	shalt  }
0x5a: {  	_ =	shalt  }
0x5b: {  	_ =	shalt  }
0x5c: {  	_ =	shalt  }
0x5d: {  	_ =	shalt  }
0x5e: {  	_ =	shalt  }
0x5f: {  	_ =	shalt  }
0x60: {  	_ =	shalt  }
0x61: {  	_ =	shalt  }
0x62: {  	_ =	shalt  }
0x63: {  	_ =	shalt  }
0x64: {  	_ =	shalt  }
0x65: {  	_ =	shalt  }
0x66: {  	_ =	shalt  }
0x67: {  	_ =	shalt  }
0x68: {  	_ =	shalt  }
0x69: {  	_ =	shalt  }
0x6a: {  	_ =	shalt  }
0x6b: {  	_ =	shalt  }
0x6c: {  	_ =	shalt  }
0x6d: {  	_ =	shalt  }
0x6e: {  	_ =	shalt  }
0x6f: {  	_ =	shalt  }
0x70: {  	_ =	shalt  }
0x71: {  	_ =	shalt  }
0x72: {  	_ =	shalt  }
0x73: {  	_ =	shalt  }
0x74: {  	_ =	shalt  }
0x75: {  	_ =	shalt  }
0x76: {  	_ =	shalt  }
0x77: {  	_ =	shalt  }
0x78: {  	_ =	shalt  }
0x79: {  	_ =	shalt  }
0x7a: {  	_ =	shalt  }
0x7b: {  	_ =	shalt  }
0x7c: {  	_ =	shalt  }
0x7d: {  	_ =	shalt  }
0x7e: {  	_ =	shalt  }
0x7f: {  	_ =	shalt  }
0x80: {  	_ =	shalt  }
0x81: {  	_ =	shalt  }
0x82: {  	_ =	shalt  }
0x83: {  	_ =	shalt  }
0x84: {  	_ =	shalt  }
0x85: {  	_ =	shalt  }
0x86: {  	_ =	shalt  }
0x87: {  	_ =	shalt  }
.Lfunc_end0:
.L_simem_size_0:
called_computation.1_lowered:
.L_overlay_start_0:
0x88: {  	s2 =	sld [smem:$0x3FD9]  }
0x89: {  	s3 =	sld [smem:$0x3FFE];
	_ =	sdelay $0x1  }
0x8a: {  	s1 =	srdreg.scid  }
0x8b: {  	s0 =	sand.u32 $0x1, s1  }
0x8c: {  	s17 =	sshll.u32 s0, $0xA;
	s2 =	sadd.s32 s3, s2  }
0x8d: {  	s2 =	sadd.s32 s2, s17  }
0x8e: {  	[smem:$0x3FC6] =	sst s2  }
0x8f: {  	_ = 	snop  }
0x90: {  	s2 =	sld [smem:$0x3FC9]  }
0x91: {  	s18 =	sld [smem:$0x3FD0];
	(tm) =	ssettm $0x1  }
0x92: {  	s4 =	sld [smem:$0x3FFB];
	_ =	sdelay $0x3  }
0x93: {  	_ =	strace s4  }
0x94: {  	s4 =	sld [smem:$0x3FFC];
	_ =	sdelay $0x3  }
0x95: {  	_ =	strace s4  }
0x96: {  	s4 =	sld [smem:$0x3FFD];
	_ =	sdelay $0x3  }
0x97: {  	_ =	strace s4  }
0x98: {  	_ =	strace $0x8FFFFFFF  }
0x99: {  	s19 =	sld [smem:$0x3FDB];
	_ =	sdelay $0x1  }
0x9a: {  	s5 =	simm.s32 $_scs_section_size  }
0x9b: {  	s6 =	simm.s32 $_size__tile_overlayer_lowered;
	s7 =	simm.s32 $_tile_overlayer_lowered  }
0x9c: {  	s22 =	simm.s32 $0x1BFF;
	s21 =	sshll.u32 s7, $0x1;
	s4 =	sadd.s32 s5, s19  }
0x9d: {  	s8 =	simm.s32 $0x0;
	s20 =	sshll.u32 s6, $0x1;
	s6 =	sadd.s32 s21, s4  }
0x9e: {  	[timem:s8], [sflag:s22] =	dma.local [hbm:s6], s20  }
0x9f: {  	_ =	swait.ge [sflag:s22], s20  }
0xa0: {  	s5 =	ssub.s32 $0x0, s20;
	[sflag:s22] =	ssyncset.done $0x0  }
0xa1: {  	[sflag:s22] =	ssyncadd.s32 s5;
	_ =	sdelay $0x1  }
0xa2: {  	s23 =	simm.s32 $0x1B8B  }
0xa3: {  	_ =	swait.ge [sflag:s23], $0x1  }
0xa4: {  	[sflag:s23] =	ssyncset.done $0x0  }
0xa5: {  	s25 =	simm.s32 $0x1B8E;
	s24 =	sld [smem:$0x3FFE];
	[sflag:s23] =	ssyncadd.s32 $0xFFFFFFFF  }
0xa6: {  	s26 =	simm.s32 $execute0_lowered;
	[smem:$0x3FD2] =	sst s25  }
0xa7: {  	s6 =	sshll.u32 s26, $0x1;
	_ =	strace $0x80000046;
	[dreg:$0x1] =	wrdreg $0xFFFFFFFF  }
0xa8: {  	s28 =	simm.s32 $_size_execute0_lowered;
	s4 =	sadd.s32 s4, s6;
	[dreg:$0x0] =	wrdreg $0x0  }
0xa9: {  	s6 =	sshll.u32 s28, $0x1;
	[dreg:$0x2] =	wrdreg s4  }
0xaa: {  	[dreg:$0x3] =	wrdreg s6  }
0xab: {  	[dreg:$0x4] =	wrdreg $0xC0  }
0xac: {  	_ =	task [dreg:s8], $0x5FFFF  }
0xad: {  	[dreg:$0x1] =	wrdreg $0xFFFFFFFF  }
0xae: {  	[dreg:$0x0] =	wrdreg $0x60  }
0xaf: {  	[dreg:$0x2] =	wrdreg s2  }
0xb0: {  	[dreg:$0x3] =	wrdreg s24  }
0xb1: {  	[dreg:$0x4] =	wrdreg s18  }
0xb2: {  	[dreg:$0x5] =	wrdreg $0x9  }
0xb3: {  	_ =	task.clear_ibuf [dreg:s8], $0x6FFFF;
	_ =	strace $0x90000046  }
0xb4: {  	s29 =	simm.s32 $0x9;
	_ =	strace $0x80000048  }
0xb5: {  	_ =	swait.ge [sflag:s29], $0x1  }
0xb6: {  	[sflag:s29] =	ssyncadd.s32 $0xFFFFFFFF  }
0xb7: {  	_ =	strace $0x90000048  }
0xb8: {  	_ =	sfence  }
0xb9: {  	s30 =	sld [smem:$0x0];
	_ =	sdelay $0x2  }
0xba: {  	s31 =	sshll.u32 s1, $0xD;
	s1 =	sshrl.u32 s1, $0x2  }
0xbb: {  	s3 =	sand.u32 $0x4000, s31;
	s1 =	sadd.s32 s1, s30  }
0xbc: {  	s0 =	sor.u32 s3, s0;
	s1 =	sshll.u32 s1, $0x11  }
0xbd: {  	s0 =	sor.u32 s1, s0  }
0xbe: {  	s0 =	sadd.s32 $0x8F2B, s0  }
0xbf: {  	[sflag:s0] =	ssyncadd.remote.s32 $0x1  }
0xc0: {  	_ =	sfence.sel $0xFFFF  }
0xc1: {  	[dreg:$0x0] =	wrdreg $0xFFFFFFFF;
	(pc) =	sbr.abs _section_cstart, $3  }
0xc2: {  	[dreg:$0x1] =	wrdreg $0xFFFFFFFF  }
0xc3: {  	_ =	task.clear_ibuf [dreg:s8], $0x2FFFF;
	_ =	strace $0x9FFFFFFF  }
0xc4: {  	(tm) =	ssettm $0x7FFFFFFF  }
0xc5: {  	_ =	shalt  }
tec
execute0_lowered:
.L_overlay_start_1:
0x0: {  	(tag) =	ssettag $0x1  }
0x1: {  	s0 =	rddreg [dreg:$0x0]  }
0x2: {  	s3 =	rddreg [dreg:$0x1]  }
0x3: {  	s9 =	rddreg [dreg:$0x2];
	s4 =	srdreg.scid  }
0x4: {  	s1 =	stileid.u32;
	s2 =	simm.s32 $0x0;
	s11 =	simm.s32 $0x100  }
0x5: {  	s12 =	simm.s32 $0x6400;
	s13 =	simm.s32 $0xA400;
	s15 =	simm.s32 $0xE400  }
0x6: {  	s17 =	simm.s32 $0x12400;
	s18 =	simm.s32 $0x1;
	s19 =	simm.s32 $0x2  }
0x7: {  	s20 =	simm.s32 $0x3;
	s21 =	simm.s32 $0x4;
	s22 =	simm.s32 $0x5  }
0x8: {  	s23 =	simm.s32 $0x6;
	s24 =	simm.s32 $0x7;
	s25 =	simm.s32 $0x8  }
0x9: {  	s4 =	sand.u32 $0x1, s4;
	s5 =	smul.u32 $0x320000, s1;
	[smem:$0x7FF] =	sst s2  }
0xa: {  	s6 =	sshll.u32 s1, $0x1;
	s3 =	sadd.s32 $0xF42C00, s3;
	s7 =	smul.u32 $0x190000, s4  }
0xb: {  	_ =	strace $0x80000047;
	s6 =	sor.u32 s4, s6;
	s4 =	ssub.s32 $0x2, s4  }
0xc: {  	s6 =	smul.u32 $0xC80, s6;
	s26 =	sshrl.u32 s4, $0x1;
	s7 =	sadd.s32 s7, s5  }
0xd: {  	s5 =	ssub.s32 s4, s26;
	s26 =	simm.s32 $0x0;
	s8 =	sor.u32 $0x4000, s7  }
.Ltmp0:
0xe: {  	s0 =	sadd.s32 s0, s6;
	s5 =	smax.u32 s5, $0x1;
	(pc) =	sbr.rel .LBB2_1-.Ltmp0, $4  }
0xf: {  	s29 =	sor.u32 $0xC000, s7;
	s30 =	sshrl.u32 s7, $0x3;
	s10 =	sor.u32 $0x8000, s7  }
0x10: {  	[dreg:$0x4] =	wrdreg s0;
	s28 =	sshrl.u32 s8, $0x3;
	s0 =	sshrl.u32 s29, $0x3  }
0x11: {  	s7 =	sadd.s32 s30, s9;
	s31 =	sshrl.u32 s10, $0x3;
	s10 =	simm.s32 $0x9  }
0x12: {  	s6 =	sadd.s32 s28, s9;
	s8 =	sadd.s32 s0, s9;
	s9 =	sadd.s32 s31, s9  }
.LBB2_4:
0x13: {  	_ =	swait.ge [sflag:s22], $0x4000  }
0x14: {  	[sflag:s22] =	ssyncset.done $0x0  }
0x15: {  	[sflag:s22] =	ssyncadd.s32 $0xFFFFC000  }
0x16: {  	_ =	swait.ge [sflag:s23], $0x4000  }
0x17: {  	[sflag:s23] =	ssyncset.done $0x0  }
0x18: {  	s26 =	sadd.s32 $0x1, s26;
	[sflag:s23] =	ssyncadd.s32 $0xFFFFC000  }
0x19: {  	p0 =	sne.s32 s26, s5;
	_ =	swait.ge [sflag:s24], $0x4000  }
.Ltmp1:
0x1a: {  	[sflag:s24] =	ssyncset.done $0x0;
	(pc) =	sbr.rel @!p0 .LBB2_5-.Ltmp1, $4  }
0x1b: {  	[sflag:s24] =	ssyncadd.s32 $0xFFFFC000  }
0x1c: {  	_ =	swait.ge [sflag:s25], $0x4000  }
0x1d: {  	[sflag:s25] =	ssyncset.done $0x0  }
0x1e: {  	[sflag:s25] =	ssyncadd.s32 $0xFFFFC000  }
.LBB2_1:
0x1f: {  	s0 =	rddreg [dreg:$0x4]  }
0x20: {  	[tilespmem:s2], [sflag:$0x9] =	stream.linear.gather [hbm4b:s0+s2], $0x6400, $0x38;
	[tilespmem:$0x16400] =	vst v63  }
0x21: {  	_ =	swait.ge [sflag:s10], $0x6400  }
0x22: {  	[sflag:s10] =	ssyncset.done $0x0  }
0x23: {  	[sflag:s10] =	ssyncadd.s32 $0xFFFF9C00  }
0x24: {  	[tilespmem:s12], [sflag:$0x1] =	stream.indirect.gather [hbm4b:s3+s11], $0x40, s2, s11, $0xb8;
	[tilespmem:$0x16400] =	vst v63  }
0x25: {  	s14 =	simm.s32 $0x200  }
0x26: {  	[tilespmem:s13], [sflag:$0x2] =	stream.indirect.gather [hbm4b:s3+s11], $0x40, s11, s11, $0xb8;
	[tilespmem:$0x16400] =	vst v63  }
0x27: {  	s16 =	simm.s32 $0x300;
	s28 =	smov.u32 s9;
	s29 =	smov.u32 s8  }
0x28: {  	[tilespmem:s15], [sflag:$0x3] =	stream.indirect.gather [hbm4b:s3+s11], $0x40, s14, s11, $0xb8;
	[tilespmem:$0x16400] =	vst v63  }
0x29: {  	s30 =	smov.u32 s7;
	s31 =	smov.u32 s6;
	s0 =	simm.s32 $0x0  }
0x2a: {  	[tilespmem:s17], [sflag:$0x4] =	stream.indirect.gather [hbm4b:s3+s11], $0x40, s16, s11, $0xb8;
	[tilespmem:$0x16400] =	vst v63  }
.LBB2_2:
0x2b: {  	_ =	swait.ge [sflag:s18], $0x4000  }
0x2c: {  	p0 =	seq.s32 s0, $0x0;
	[sflag:s18] =	ssyncset.done $0x0  }
0x2d: {  	s1 =	simm.s32 @!p0 $0x7;
	[sflag:s18] =	ssyncadd.s32 $0xFFFFC000  }
0x2e: {  	[hbm4b:s30+s2] =	stream.linear.scatter [tilespmem:s12], [sflag:$0x5], $0x4000, $0x38;
	[tilespmem:$0x16400] =	vst v63  }
0x2f: {  	_ =	swait.ge @!p0 [sflag:s1], $0x4000  }
0x30: {  	[sflag:s1] =	ssyncset.done @!p0 $0x0  }
0x31: {  	[sflag:s1] =	ssyncadd.s32 @!p0 $0xFFFFC000;
	s1 =	sshra.s32 @!p0 s0, $0x2  }
0x32: {  	s16 =	simm.s32 @!p0 $0x100;
	s4 =	simm.s32 @!p0 $0xE400;
	s14 =	sadd.s32 @!p0 $0x200, s1  }
0x33: {  	[tilespmem:s4], [sflag:$0x3] =	stream.indirect.gather @!p0 [hbm4b:s3+s16], $0x40, s14, s16, $0xb8;
	[tilespmem:$0x16400] =	vst v63  }
0x34: {  	_ =	swait.ge [sflag:s19], $0x4000  }
0x35: {  	[sflag:s19] =	ssyncset.done $0x0  }
0x36: {  	s4 =	simm.s32 @!p0 $0x8;
	[sflag:s19] =	ssyncadd.s32 $0xFFFFC000  }
0x37: {  	[hbm4b:s31+s2] =	stream.linear.scatter [tilespmem:s13], [sflag:$0x6], $0x4000, $0x38;
	[tilespmem:$0x16400] =	vst v63  }
0x38: {  	_ =	swait.ge @!p0 [sflag:s4], $0x4000  }
0x39: {  	[sflag:s4] =	ssyncset.done @!p0 $0x0  }
0x3a: {  	s1 =	sadd.s32 @!p0 $0x300, s1;
	[sflag:s4] =	ssyncadd.s32 @!p0 $0xFFFFC000;
	s4 =	simm.s32 @!p0 $0x12400  }
0x3b: {  	[tilespmem:s4], [sflag:$0x4] =	stream.indirect.gather @!p0 [hbm4b:s3+s16], $0x40, s1, s16, $0xb8;
	[tilespmem:$0x16400] =	vst v63  }
0x3c: {  	_ =	swait.ge [sflag:s20], $0x4000  }
0x3d: {  	p0 =	seq.s32 s0, $0x18000;
	[sflag:s20] =	ssyncset.done $0x0  }
0x3e: {  	s1 =	simm.s32 @!p0 $0x5;
	[sflag:s20] =	ssyncadd.s32 $0xFFFFC000  }
0x3f: {  	[hbm4b:s28+s2] =	stream.linear.scatter [tilespmem:s15], [sflag:$0x7], $0x4000, $0x38;
	[tilespmem:$0x16400] =	vst v63  }
0x40: {  	_ =	swait.ge @!p0 [sflag:s1], $0x4000  }
0x41: {  	[sflag:s1] =	ssyncset.done @!p0 $0x0  }
0x42: {  	[sflag:s1] =	ssyncadd.s32 @!p0 $0xFFFFC000;
	s1 =	sshra.s32 @!p0 s0, $0x2  }
0x43: {  	s4 =	simm.s32 @!p0 $0x100;
	s14 =	simm.s32 @!p0 $0x6400;
	s1 =	sadd.s32 @!p0 $0x400, s1  }
0x44: {  	[tilespmem:s14], [sflag:$0x1] =	stream.indirect.gather @!p0 [hbm4b:s3+s4], $0x40, s1, s4, $0xb8;
	[tilespmem:$0x16400] =	vst v63  }
.Ltmp2:
0x45: {  	_ = 	snop;
	(pc) =	sbr.rel @p0 .LBB2_4-.Ltmp2, $4  }
0x46: {  	_ =	swait.ge [sflag:s21], $0x4000  }
0x47: {  	[sflag:s21] =	ssyncset.done $0x0  }
0x48: {  	[sflag:s21] =	ssyncadd.s32 $0xFFFFC000  }
0x49: {  	[hbm4b:s29+s2] =	stream.linear.scatter [tilespmem:s17], [sflag:$0x8], $0x4000, $0x38;
	[tilespmem:$0x16400] =	vst v63  }
.Ltmp3:
0x4a: {  	_ =	swait.ge [sflag:s23], $0x4000;
	(pc) =	sbr.rel .LBB2_2-.Ltmp3, $4  }
0x4b: {  	s1 =	sshra.s32 s0, $0x2;
	s0 =	sadd.s32 $0x1000, s0;
	s31 =	sadd.s32 $0x2000, s31  }
0x4c: {  	s30 =	sadd.s32 $0x2000, s30;
	s29 =	sadd.s32 $0x2000, s29;
	[sflag:s23] =	ssyncset.done $0x0  }
0x4d: {  	s28 =	sadd.s32 $0x2000, s28;
	s1 =	sadd.s32 $0x500, s1;
	[sflag:s23] =	ssyncadd.s32 $0xFFFFC000  }
0x4e: {  	[tilespmem:s13], [sflag:$0x2] =	stream.indirect.gather [hbm4b:s3+s11], $0x40, s1, s11, $0xb8;
	[tilespmem:$0x16400] =	vst v63  }
.LBB2_5:
0x4f: {  	_ =	sfence.sel $0x180000  }
0x50: {  	[bflag:$0x0] =	sbarrier.arrive $0xFFFF  }
0x51: {  	_ =	strace $0x90000047  }
0x52: {  	s0 =	stileid.u32;
	[bflag:$0x2] =	sbarrier.arrive $0xFFFF  }
0x53: {  	p0 =	sne.s32 s0, $0x0;
	s0 =	rddreg [dreg:$0x3]  }
0x54: {  	s0 =	sadd.s32 @!p0 $0x100000, s0  }
0x55: {  	[sflag:s0] =	ssyncadd.tile.s32 @!p0 $0x1;
	_ =	shalt  }
.Lfunc_end2:
_tile_overlayer_lowered:
.L_overlay_start_2:
0x56: {  	(tag) =	ssettag $0x2  }
0x57: {  	s0 =	rddreg [dreg:$0x0];
	s2 =	stileid.u32  }
0x58: {  	s1 =	rddreg [dreg:$0x1];
	p0 =	sne.s32 s2, $0x0  }
0x59: {  	s3 =	rddreg [dreg:$0x2];
	[bflag:$0x3] =	sbarrier.arrive $0xFFFF;
	s2 =	simm.s32 @!p0 $0x1C09  }
0x5a: {  	[timem:s3], [sflag:s2] =	dma.local @!p0 [hbm:s0], s1  }
0x5b: {  	s0 =	simm.s32 @!p0 $0x9  }
0x5c: {  	_ =	swait.ge @!p0 [sflag:s0], s1  }
0x5d: {  	s1 =	ssub.s32 @!p0 $0x0, s1;
	[sflag:s0] =	ssyncset.done @!p0 $0x0  }
0x5e: {  	[sflag:s0] =	ssyncadd.s32 @!p0 s1  }
0x5f: {  	[bflag:$0x3] =	sbarrier.arrive $0xFFFF  }
0x60: {  	_ =	shalt  }

// kernel: sparse-core-data-format-call.cloned.1.call-start
scs
called_computation_lowered:
.L_overlay_start_0:
0x0: {  	s2 =	sld [smem:$0x3FD9]  }
0x1: {  	s3 =	sld [smem:$0x3FFE];
	_ =	sdelay $0x1  }
0x2: {  	s1 =	srdreg.scid  }
0x3: {  	s0 =	sand.u32 $0x1, s1  }
0x4: {  	s18 =	sshll.u32 s0, $0xA;
	s2 =	sadd.s32 s3, s2  }
0x5: {  	s2 =	sadd.s32 s2, s18  }
0x6: {  	[smem:$0x3FC6] =	sst s2  }
0x7: {  	_ = 	snop  }
0x8: {  	s2 =	sld [smem:$0x3FD0];
	(tm) =	ssettm $0x1  }
0x9: {  	s19 =	sld [smem:$0x3FFB];
	_ =	sdelay $0x3  }
0xa: {  	_ =	strace s19  }
0xb: {  	s3 =	sld [smem:$0x3FFC];
	_ =	sdelay $0x3  }
0xc: {  	_ =	strace s3  }
0xd: {  	s3 =	sld [smem:$0x3FFD];
	_ =	sdelay $0x3  }
0xe: {  	_ =	strace s3  }
0xf: {  	_ =	strace $0x8FFFFFFF  }
0x10: {  	s20 =	sld [smem:$0x3FDB];
	_ =	sdelay $0x1  }
0x11: {  	s4 =	simm.s32 $_scs_section_size  }
0x12: {  	s5 =	simm.s32 $_size__tile_overlayer_lowered;
	s6 =	simm.s32 $_tile_overlayer_lowered  }
0x13: {  	s23 =	simm.s32 $0x1BFF;
	s22 =	sshll.u32 s6, $0x1;
	s3 =	sadd.s32 s4, s20  }
0x14: {  	s7 =	simm.s32 $0x0;
	s21 =	sshll.u32 s5, $0x1;
	s5 =	sadd.s32 s22, s3  }
0x15: {  	[timem:s7], [sflag:s23] =	dma.local [hbm:s5], s21  }
0x16: {  	_ =	swait.ge [sflag:s23], s21  }
0x17: {  	s4 =	ssub.s32 $0x0, s21;
	[sflag:s23] =	ssyncset.done $0x0  }
0x18: {  	[sflag:s23] =	ssyncadd.s32 s4;
	_ =	sdelay $0x1  }
0x19: {  	s24 =	simm.s32 $0x1B8B  }
0x1a: {  	_ =	swait.ge [sflag:s24], $0x1  }
0x1b: {  	[sflag:s24] =	ssyncset.done $0x0  }
0x1c: {  	s26 =	simm.s32 $0x1B8E;
	s25 =	sld [smem:$0x3FFE];
	[sflag:s24] =	ssyncadd.s32 $0xFFFFFFFF  }
0x1d: {  	s27 =	simm.s32 $execute0_lowered;
	[smem:$0x3FD2] =	sst s26  }
0x1e: {  	s5 =	sshll.u32 s27, $0x1;
	_ =	strace $0x80000049;
	[dreg:$0x1] =	wrdreg $0xFFFFFFFF  }
0x1f: {  	s28 =	simm.s32 $_size_execute0_lowered;
	s3 =	sadd.s32 s3, s5;
	[dreg:$0x0] =	wrdreg $0x0  }
0x20: {  	s5 =	sshll.u32 s28, $0x1;
	[dreg:$0x2] =	wrdreg s3  }
0x21: {  	[dreg:$0x3] =	wrdreg s5  }
0x22: {  	[dreg:$0x4] =	wrdreg $0xC0  }
0x23: {  	_ =	task [dreg:s7], $0x5FFFF  }
0x24: {  	[dreg:$0x1] =	wrdreg $0xFFFFFFFF  }
0x25: {  	[dreg:$0x0] =	wrdreg $0x60  }
0x26: {  	[dreg:$0x2] =	wrdreg s25  }
0x27: {  	[dreg:$0x3] =	wrdreg s2  }
0x28: {  	[dreg:$0x4] =	wrdreg $0x9  }
0x29: {  	_ =	task.clear_ibuf [dreg:s7], $0x5FFFF;
	_ =	strace $0x90000049  }
0x2a: {  	s29 =	simm.s32 $0x9;
	_ =	strace $0x8000004B  }
0x2b: {  	_ =	swait.ge [sflag:s29], $0x1  }
0x2c: {  	[sflag:s29] =	ssyncadd.s32 $0xFFFFFFFF  }
0x2d: {  	_ =	strace $0x9000004B  }
0x2e: {  	_ =	sfence  }
0x2f: {  	s30 =	sld [smem:$0x0];
	_ =	sdelay $0x2  }
0x30: {  	s31 =	sshll.u32 s1, $0xD;
	s1 =	sshrl.u32 s1, $0x2  }
0x31: {  	s3 =	sand.u32 $0x4000, s31;
	s1 =	sadd.s32 s1, s30  }
0x32: {  	s0 =	sor.u32 s3, s0;
	s1 =	sshll.u32 s1, $0x11  }
0x33: {  	s0 =	sor.u32 s1, s0  }
0x34: {  	s0 =	sadd.s32 $0x8F2B, s0  }
0x35: {  	[sflag:s0] =	ssyncadd.remote.s32 $0x1  }
0x36: {  	_ =	sfence.sel $0xFFFF  }
0x37: {  	[dreg:$0x0] =	wrdreg $0xFFFFFFFF;
	(pc) =	sbr.abs _section_cstart, $3  }
0x38: {  	[dreg:$0x1] =	wrdreg $0xFFFFFFFF  }
0x39: {  	_ =	task.clear_ibuf [dreg:s7], $0x2FFFF;
	_ =	strace $0x9FFFFFFF  }
0x3a: {  	(tm) =	ssettm $0x7FFFFFFF  }
0x3b: {  	_ =	shalt  }
tec
execute0_lowered:
.L_overlay_start_1:
0x0: {  	(tag) =	ssettag $0x1  }
0x1: {  	s0 =	srdreg.scid  }
0x2: {  	s1 =	sshll.u32 s0, $0x4  }
0x3: {  	s4 =	rddreg [dreg:$0x0];
	s0 =	stileid.u32;
	s1 =	sand.u32 $0x10, s1  }
0x4: {  	s2 =	rddreg [dreg:$0x1];
	s7 =	simm.s32 $0x1;
	s1 =	sor.u32 s0, s1  }
0x5: {  	s8 =	simm.s32 $0x2;
	s11 =	simm.s32 $0x0;
	s3 =	sshll.u32 s1, $0x7  }
0x6: {  	s10 =	simm.s32 $0x0;
	s4 =	sadd.s32 $0x800, s4;
	s6 =	ssub.s32 $0xC8000, s3  }
.Ltmp0:
0x7: {  	s1 =	rddreg [dreg:$0x2];
	s5 =	sand.u32 $0xF80, s6;
	(pc) =	sbr.rel .LBB1_1-.Ltmp0, $4  }
0x8: {  	_ =	strace $0x8000004A;
	s9 =	smov.u32 s3;
	p0 =	sne.s32 s5, $0x0  }
0x9: {  	s6 =	sshrl.u32 s6, $0xC;
	s5 =	simm.s32 $0x1;
	s7 =	simm.s32 @!p0 $0x0  }
0xa: {  	[sflag:s5] =	ssyncpa.u1 $0x0;
	p0 =	por $0x0, $0x0;
	s6 =	sadd.s32 s7, s6  }
0xb: {  	[sflag:s8] =	ssyncpa.u1 $0x0;
	s8 =	simm.s32 $0x640000;
	s7 =	sadd.s32 $0x1, s6  }
.LBB1_4:
0xc: {  	s14 =	sshll.u32 s11, $0x3  }
0xd: {  	s30 =	sand.u32 $0x7F, s11;
	s15 =	sand.u32 $0xFFFFFC00, s14  }
0xe: {  	s11 =	sor.u32 s30, s15  }
0xf: {  	s15 =	smulhi.u32 $0x51EB851F, s11  }
0x10: {  	s14 =	smulhi.u32 $0x51EB851F, s14  }
0x11: {  	s15 =	sshrl.u32 s15, $0x12  }
0x12: {  	s14 =	sshrl.u32 s14, $0x12;
	s15 =	smul.u32 $0xC8000, s15  }
0x13: {  	s14 =	sand.u32 $0x3F, s14  }
0x14: {  	s14 =	smul.u32 $0x19000, s14;
	s11 =	ssub.s32 s11, s15  }
0x15: {  	[tilespmem:s13+$0x810 ss:$0x81] =	vst.msk $0xffff, v2;
	s15 =	sand.u32 $0x7, s11  }
0x16: {  	[tilespmem:s13+$0x1020 ss:$0x81] =	vst.msk $0xffff, v0;
	s14 =	sadd.s32 s2, s14;
	s11 =	sshrl.u32 s11, $0x3;
	s15 =	sshll.u32 s15, $0x12  }
0x17: {  	[tilespmem:s13+$0x0 ss:$0x81] =	vst.msk $0xffff, v1;
	s11 =	sadd.s32 s11, s14;
	s31 =	sor.u32 $0x400, s15  }
0x18: {  	[hbm4b:s11+s31] =	stream.strided.scatter [tilespmem:s12], [sflag:$0x2], $0x2000, s8, s31, $0x20;
	[tilespmem:$0x8080] =	vst v63  }
.LBB1_5:
0x19: {  	s13 =	sadd.s32 $0x1000, s9  }
0x1a: {  	p2 =	sgt.s32 s13, $0xC7FFF  }
0x1b: {  	s13 =	smov.u32 @p2 s3;
	p2 =	sne.s32 s10, s7  }
.Ltmp1:
0x1c: {  	p1 =	slt.u32 s10, $0x2;
	(pc) =	sbr.rel @!p2 .LBB1_6-.Ltmp1, $4  }
0x1d: {  	s12 =	simm.s32 @!p1 $0x2  }
0x1e: {  	s14 =	sadd.s32 $0x1, s10;
	_ =	swait.ge @!p1 [sflag:s12], $0x2000  }
0x1f: {  	s11 =	smov.u32 s9;
	p0 =	por !p0, !p0;
	[sflag:s12] =	ssyncset.done @!p1 $0x0  }
0x20: {  	s10 =	smov.u32 s14;
	s9 =	smov.u32 s13;
	[sflag:s12] =	ssyncadd.s32 @!p1 $0xFFFFE000  }
.LBB1_1:
0x21: {  	p1 =	sge.u32 s10, s6  }
0x22: {  	s12 =	sand.u32 @!p1 $0x1FFFFFF, s9  }
0x23: {  	s13 =	smulhi.u32 @!p1 $0x147AE15, s12;
	_ =	sdelay $0x1  }
0x24: {  	s13 =	sshrl.u32 @!p1 s13, $0xC  }
0x25: {  	s13 =	smul.u32 @!p1 $0xC8000, s13;
	_ =	sdelay $0x1  }
0x26: {  	s31 =	sadd.s32 $0xFFFFFFFF, s10;
	s14 =	sxor.u32 @!p1 $0xFFFFFFFF, s10;
	s12 =	ssub.s32 @!p1 s12, s13  }
0x27: {  	s15 =	simm.s32 @!p1 $0x80;
	s14 =	sshll.u32 @!p1 s14, $0xD;
	s12 =	sshll.u32 @!p1 s12, $0x4  }
0x28: {  	s13 =	sand.u32 @!p1 $0x2000, s14;
	s14 =	simm.s32 @!p1 $0x40;
	s12 =	sadd.s32 @!p1 s4, s12  }
0x29: {  	[tilespmem:s13], [sflag:$0x1] =	stream.strided.gather @!p1 [hbm4b:s12+s14], $0x2000, s15, s14, $0x38;
	[tilespmem:$0x8080] =	vst v63  }
0x2a: {  	p1 =	sge.u32 s31, s6  }
.Ltmp2:
0x2b: {  	_ = 	snop;
	(pc) =	sbr.rel @p1 .LBB1_5-.Ltmp2, $1  }
0x2c: {  	_ =	sdelay $0x3  }
0x2d: {  	s12 =	simm.s32 $0x1  }
0x2e: {  	_ =	swait.ge [sflag:s5], $0x2000;
	s12 =	simm.s32 @!p0 $0x0  }
0x2f: {  	[sflag:s5] =	ssyncset.done $0x0;
	s13 =	sshll.u32 s12, $0xD  }
0x30: {  	[sflag:s5] =	ssyncadd.s32 $0xFFFFE000;
	s16 =	sor.u32 $0x20, s13  }
0x31: {  	s12 =	smul.u32 $0x8100, s12;
	v3 =	vld [tilespmem:s16+$0x10]  }
0x32: {  	s30 =	sand.u32 $0x1, s10;
	v2 =	vld [tilespmem:s16+$0xFFFFFFF0]  }
0x33: {  	s13 =	smul.u32 $0x8100, s30;
	s12 =	sshrl.u32 s12, $0x2;
	v0 =	vld [tilespmem:s16+$0x0]  }
0x34: {  	v1 =	vld [tilespmem:s16+$0xFFFFFFE0];
	s14 =	sor.u32 $0x4000, s12  }
0x35: {  	s31 =	sshrl.u32 s13, $0x2;
	s13 =	sadd.s32 $0x0, s14  }
0x36: {  	s15 =	simm.s32 $0x4;
	s16 =	sadd.s32 $0x40, s16;
	s12 =	sor.u32 $0x4000, s31;
	[tilespmem:s13+$0x1830 ss:$0x81] =	vst.msk $0xffff, v3  }
.LBB1_3:
0x37: {  	v3 =	vld [tilespmem:s16+$0x10];
	p1 =	sne.s32 s15, $0x1FC;
	[tilespmem:s13+$0x810 ss:$0x81] =	vst.msk $0xffff, v2;
	s17 =	smov.u32 s15;
	s15 =	sadd.s32 $0x4, s15  }
.Ltmp3:
0x38: {  	v2 =	vld [tilespmem:s16+$0xFFFFFFF0];
	[tilespmem:s13+$0x1020 ss:$0x81] =	vst.msk $0xffff, v0;
	(pc) =	sbr.rel @p1 .LBB1_3-.Ltmp3, $4  }
0x39: {  	v0 =	vld [tilespmem:s16+$0x0];
	[tilespmem:s13+$0x0 ss:$0x81] =	vst.msk $0xffff, v1  }
0x3a: {  	s13 =	sshra.s32 s17, $0x2;
	v1 =	vld [tilespmem:s16+$0xFFFFFFE0]  }
0x3b: {  	s13 =	sadd.s32 s13, s14  }
0x3c: {  	s16 =	sadd.s32 $0x40, s16;
	[tilespmem:s13+$0x1830 ss:$0x81] =	vst.msk $0xffff, v3  }
.Ltmp4:
0x3d: {  	_ = 	snop;
	(pc) =	sbr.rel .LBB1_4-.Ltmp4, $1  }
0x3e: {  	_ =	sdelay $0x3  }
.LBB1_6:
0x3f: {  	_ =	sfence.sel $0x180000  }
0x40: {  	s2 =	simm.s32 $0x1;
	[bflag:$0x0] =	sbarrier.arrive $0xFFFF  }
0x41: {  	s31 =	simm.s32 $0x2;
	[sflag:s2] =	ssyncpa.u1 $0x1  }
0x42: {  	[sflag:s31] =	ssyncpa.u1 $0x1  }
0x43: {  	p0 =	sne.s32 s0, $0x0;
	_ =	strace $0x9000004A  }
0x44: {  	s0 =	sadd.s32 @!p0 $0x100000, s1;
	[bflag:$0x2] =	sbarrier.arrive $0xFFFF  }
0x45: {  	[sflag:s0] =	ssyncadd.tile.s32 @!p0 $0x1;
	_ =	shalt  }
.Lfunc_end1:
_tile_overlayer_lowered:
.L_overlay_start_2:
0x46: {  	(tag) =	ssettag $0x2  }
0x47: {  	s0 =	rddreg [dreg:$0x0];
	s2 =	stileid.u32  }
0x48: {  	s1 =	rddreg [dreg:$0x1];
	p0 =	sne.s32 s2, $0x0  }
0x49: {  	s3 =	rddreg [dreg:$0x2];
	[bflag:$0x3] =	sbarrier.arrive $0xFFFF;
	s2 =	simm.s32 @!p0 $0x1C01  }
0x4a: {  	[timem:s3], [sflag:s2] =	dma.local @!p0 [hbm:s0], s1  }
0x4b: {  	s0 =	simm.s32 @!p0 $0x1  }
0x4c: {  	_ =	swait.ge @!p0 [sflag:s0], s1  }
0x4d: {  	s1 =	ssub.s32 @!p0 $0x0, s1;
	[sflag:s0] =	ssyncset.done @!p0 $0x0  }
0x4e: {  	[sflag:s0] =	ssyncadd.s32 @!p0 s1  }
0x4f: {  	[bflag:$0x3] =	sbarrier.arrive $0xFFFF  }
0x50: {  	_ =	shalt  }

</sc_bundles>
